<compile_context>
chip_gen: v7x
topology: tpu7x:2x2x1
jax: 0.10.2.dev20260603
libtpu: 0.0.44.dev20260713+nightly
codegen_flags: <defaults>
</compile_context>

<pallas_src>
import functools

import jax
import jax.numpy as jnp
from jax import lax
from jax.experimental import pallas as pl
from jax.experimental.pallas import tpu as pltpu
from jax.experimental.pallas import tpu_sc as plsc

N = 10000
E = 160000
H = 256
B = 16

NUM_WORKERS = 32
CHUNK = E // NUM_WORKERS
NFULL = CHUNK // 16
WIN = 5120

ROWS = 2048
GRID = (N + ROWS - 1) // ROWS
NPAD = GRID * ROWS


def _tc_main_body(x_ref, w1_ref, b1_ref, w2t_ref, b2t_ref, gid_ref,
                  wl1_ref, bl1_ref, wl2t_ref, bl2t_ref,
                  asgt_ref, a0_ref, sel_ref, pos_ref, gemb_ref, s_ref, g_ref):
    i = pl.program_id(0)
    valid = (lax.broadcasted_iota(jnp.int32, (ROWS, 1), 0) + i * ROWS) < N
    xb = jnp.where(valid, x_ref[...], 0.0)
    h = jnp.maximum(
        jnp.dot(xb, w1_ref[...], preferred_element_type=jnp.float32)
        + b1_ref[...], 0.0)
    lt = (lax.dot_general(w2t_ref[...], h, (((1,), (1,)), ((), ())),
                          preferred_element_type=jnp.float32) + b2t_ref[...])
    m = jnp.max(lt, axis=0, keepdims=True)
    e = jnp.exp(lt - m)
    at = e / jnp.sum(e, axis=0, keepdims=True)
    asgt_ref[...] = at
    a0row = at[0:1, :]
    a0_ref[...] = a0row
    sel_ref[...] = (a0row >= at[1:2, :]).astype(jnp.int32)

    onehot_t = jnp.where(
        jnp.reshape(gid_ref[...], (1, ROWS))
        == lax.broadcasted_iota(jnp.int32, (B, 1), 0), 1.0, 0.0)
    ge = lax.dot_general(onehot_t, xb, (((1,), (0,)), ((), ())),
                         preferred_element_type=jnp.float32)
    pe = lax.dot_general(onehot_t * a0row, xb, (((1,), (0,)), ((), ())),
                         preferred_element_type=jnp.float32)

    @pl.when(i == 0)
    def _():
        pos_ref[...] = jnp.zeros_like(pos_ref)
        gemb_ref[...] = jnp.zeros_like(gemb_ref)

    pos_ref[...] += pe
    gemb_ref[...] += ge

    @pl.when(i == GRID - 1)
    def _():
        def head_t(emb):
            hh = jnp.maximum(
                jnp.dot(emb, wl1_ref[...], preferred_element_type=jnp.float32)
                + bl1_ref[...], 0.0)
            return (lax.dot_general(wl2t_ref[...], hh,
                                    (((1,), (1,)), ((), ())),
                                    preferred_element_type=jnp.float32)
                    + bl2t_ref[...])
        s_ref[...] = head_t(pos_ref[...])
        g_ref[...] = head_t(gemb_ref[...])


_tc_main = pl.pallas_call(
    _tc_main_body,
    grid=(GRID,),
    in_specs=[
        pl.BlockSpec((ROWS, H), lambda i: (i, 0)),
        pl.BlockSpec((H, H), lambda i: (0, 0)),
        pl.BlockSpec((1, H), lambda i: (0, 0)),
        pl.BlockSpec((2, H), lambda i: (0, 0)),
        pl.BlockSpec((2, 1), lambda i: (0, 0)),
        pl.BlockSpec((ROWS,), lambda i: (i,)),
        pl.BlockSpec((H, H), lambda i: (0, 0)),
        pl.BlockSpec((1, H), lambda i: (0, 0)),
        pl.BlockSpec((2, H), lambda i: (0, 0)),
        pl.BlockSpec((2, 1), lambda i: (0, 0)),
    ],
    out_specs=[
        pl.BlockSpec((2, ROWS), lambda i: (0, i)),
        pl.BlockSpec((1, ROWS), lambda i: (0, i)),
        pl.BlockSpec((1, ROWS), lambda i: (0, i)),
        pl.BlockSpec((B, H), lambda i: (0, 0)),
        pl.BlockSpec((B, H), lambda i: (0, 0)),
        pl.BlockSpec((2, B), lambda i: (0, 0)),
        pl.BlockSpec((2, B), lambda i: (0, 0)),
    ],
    out_shape=[
        jax.ShapeDtypeStruct((2, NPAD), jnp.float32),
        jax.ShapeDtypeStruct((1, NPAD), jnp.float32),
        jax.ShapeDtypeStruct((1, NPAD), jnp.int32),
        jax.ShapeDtypeStruct((B, H), jnp.float32),
        jax.ShapeDtypeStruct((B, H), jnp.float32),
        jax.ShapeDtypeStruct((2, B), jnp.float32),
        jax.ShapeDtypeStruct((2, B), jnp.float32),
    ],
)


_sc_mesh = plsc.VectorSubcoreMesh(core_axis_name="c", subcore_axis_name="s")


@functools.partial(
    pl.kernel,
    mesh=_sc_mesh,
    compiler_params=pltpu.CompilerParams(needs_layout_passes=False),
    out_type=jax.ShapeDtypeStruct((NUM_WORKERS, 64), jnp.float32),
    scratch_types=[
        pltpu.VMEM((NPAD,), jnp.float32),
        pltpu.VMEM((N,), jnp.int32),
        pltpu.VMEM((2, WIN), jnp.int32),
        pltpu.VMEM((16 * 65 + 16,), jnp.float32),
        pltpu.VMEM((64,), jnp.float32),
        pltpu.SemaphoreType.DMA,
    ],
)
def _sc_edges(a0_hbm, ei_hbm, gid_hbm, out_hbm,
              a0_v, gid_v, ei_v, acc_v, res_v, sem):
    w = lax.axis_index("c") * 16 + lax.axis_index("s")
    start = w * CHUNK
    base = (start // 128) * 128
    off_in = start - base
    cp1 = pltpu.async_copy(a0_hbm, a0_v, sem)
    cp2 = pltpu.async_copy(gid_hbm, gid_v, sem)
    cp3 = pltpu.async_copy(ei_hbm.at[:, pl.ds(base, WIN)], ei_v, sem)
    zero16f = jnp.zeros((16,), jnp.float32)

    def zbody(k, carry):
        acc_v[pl.ds(pl.multiple_of(k * 16, 16), 16)] = zero16f
        return carry

    lax.fori_loop(0, 66, zbody, 0)
    cp1.wait()
    cp2.wait()
    cp3.wait()

    lane = lax.iota(jnp.int32, 16)
    lane65 = lane * 65
    z16 = jnp.zeros((16,), jnp.int32)
    o16 = jnp.full((16,), 1, jnp.int32)

    def step(off, mf):
        col = off_in + off + lane
        s16 = plsc.load_gather(ei_v, [z16, col])
        d16 = plsc.load_gather(ei_v, [o16, col])
        as0 = plsc.load_gather(a0_v, [s16])
        ad0 = plsc.load_gather(a0_v, [d16])
        g16 = plsc.load_gather(gid_v, [d16])
        am = as0 * mf
        dm = ad0 * mf
        pm = as0 * dm
        basev = lane65 + g16 * 4
        plsc.addupdate_scatter(acc_v, [basev], pm)
        plsc.addupdate_scatter(acc_v, [basev + 1], am - pm)
        plsc.addupdate_scatter(acc_v, [basev + 2], dm - pm)
        plsc.addupdate_scatter(acc_v, [basev + 3], mf - am - dm + pm)

    ones16 = jnp.full((16,), 1.0, jnp.float32)

    @plsc.parallel_loop(0, NFULL, unroll=2)
    def _loop(i):
        step(i * 16, ones16)
    step(CHUNK - 16, jnp.where(lane >= 8, 1.0, 0.0))

    for j in range(4):
        def fbody(l, t):
            return t + plsc.load_gather(acc_v, [l * 65 + j * 16 + lane])
        t = lax.fori_loop(1, 16, fbody,
                          plsc.load_gather(acc_v, [j * 16 + lane]))
        res_v[pl.ds(j * 16, 16)] = t
    pltpu.sync_copy(res_v, out_hbm.at[w])


def _tc_xcopy_body(x_ref, o_ref):
    o_ref[...] = x_ref[...]


_tc_xcopy = pl.pallas_call(
    _tc_xcopy_body,
    grid=(GRID,),
    in_specs=[pl.BlockSpec((ROWS, H), lambda i: (i, 0))],
    out_specs=pl.BlockSpec((ROWS, H), lambda i: (i, 0)),
    out_shape=jax.ShapeDtypeStruct((N, H), jnp.float32),
)


def _tc_pen_body(p_ref, o_ref):
    S = jnp.sum(p_ref[...], axis=0)
    a00, a01 = S[:, 0:1], S[:, 1:2]
    a10, a11 = S[:, 2:3], S[:, 3:4]
    d0 = jnp.maximum(jnp.abs(a00) + jnp.abs(a01), 1e-5)
    d1 = jnp.maximum(jnp.abs(a10) + jnp.abs(a11), 1e-5)
    pen = (jnp.sum((a00 / d0 - 1.0) ** 2) + jnp.sum((a11 / d1 - 1.0) ** 2))
    o_ref[...] = jnp.reshape(pen / (2.0 * B), (1, 1))


_tc_pen = pl.pallas_call(
    _tc_pen_body,
    out_shape=jax.ShapeDtypeStruct((1, 1), jnp.float32),
)


def kernel(x, edge_index, graph_ids, W1c, b1c, W2c, b2c, Wl1, bl1, Wl2, bl2):
    asgt, a0, sel, posemb, gemb, s_out_t, g_out_t = _tc_main(
        x, W1c, b1c.reshape(1, H), W2c.T, b2c.reshape(2, 1),
        graph_ids,
        Wl1, bl1.reshape(1, H), Wl2.T, bl2.reshape(2, 1))

    partials = _sc_edges(a0.reshape(NPAD), edge_index, graph_ids)

    pos_penalty = _tc_pen(partials.reshape(NUM_WORKERS, B, 4))[0, 0]

    return (s_out_t.T, g_out_t.T, posemb, gemb, pos_penalty,
            asgt[:, :N].T, _tc_xcopy(x), sel[0, :N])

# --- scband reference (transcript-rebuilt; emitter-appended) ---
"""Pipeline reference for scband-gibabstract-51900384805117 (READ-ONLY COPY).

The authoritative reference and input builder live on the scoring server;
editing this copy changes nothing except your own understanding.
"""

import jax, jax.numpy as jnp
import numpy as np

N = 10000   # nodes
E = 160000  # edges
H = 256     # hidden (= dim_nfeats)
B = 16      # batch of graphs
C = 2       # num_classes


def setup_inputs(seed: int = 0) -> dict:
    key = jax.random.key(seed)
    ks = jax.random.split(key, 12)
    x = jax.random.normal(ks[0], (N, H), dtype=jnp.float32)
    edge_index = jax.random.randint(ks[1], (2, E), 0, N, dtype=jnp.int32)
    graph_ids = jnp.sort(jax.random.randint(ks[2], (N,), 0, B, dtype=jnp.int32))
    s = 1.0 / np.sqrt(H)
    W1c = jax.random.normal(ks[3], (H, H), jnp.float32) * s
    b1c = jnp.zeros((H,), jnp.float32)
    W2c = jax.random.normal(ks[4], (H, 2), jnp.float32) * s
    b2c = jnp.zeros((2,), jnp.float32)
    Wl1 = jax.random.normal(ks[5], (H, H), jnp.float32) * s
    bl1 = jnp.zeros((H,), jnp.float32)
    Wl2 = jax.random.normal(ks[6], (H, C), jnp.float32) * s
    bl2 = jnp.zeros((C,), jnp.float32)
    return {"x": x, "edge_index": edge_index, "graph_ids": graph_ids,
            "W1c": W1c, "b1c": b1c, "W2c": W2c, "b2c": b2c,
            "Wl1": Wl1, "bl1": bl1, "Wl2": Wl2, "bl2": bl2}


def reference(x, edge_index, graph_ids, W1c, b1c, W2c, b2c, Wl1, bl1, Wl2, bl2):
    # Abstract class: conv1/convs are unset (identity); eval mode (no concrete noise, no dropout).
    # assignment = softmax(cluster2(relu(cluster1(x))))
    h = jax.nn.relu(x @ W1c + b1c)
    logits = h @ W2c + b2c
    assignment = jax.nn.softmax(logits, axis=1)            # [N, 2]
    src = edge_index[0]
    dst = edge_index[1]
    # g.update_all(copy_u('prob'), sum) -> prob_sum[dst] += assignment[src]
    prob_sum = jax.ops.segment_sum(assignment[src], dst, num_segments=N)  # [N, 2]
    sta = prob_sum[:, :, None]                              # [N, 2, 1]
    asg = assignment[:, None, :]                            # [N, 1, 2]
    stas = sta @ asg                                        # [N, 2, 2]
    connectivity = stas.reshape(N, 4)
    new_adj = jax.ops.segment_sum(connectivity, graph_ids, num_segments=B).reshape(B, 2, 2)
    asg_t = jnp.transpose(asg, (0, 2, 1))                   # [N, 2, 1]
    graph_pos_features = asg_t @ x[:, None, :]              # [N, 2, H]
    filter_features = graph_pos_features[:, 0, :]           # [N, H]
    pos_embedding = jax.ops.segment_sum(filter_features, graph_ids, num_segments=B)  # [B, H]
    graph_embedding = jax.ops.segment_sum(x, graph_ids, num_segments=B)              # [B, H]
    # F.normalize(new_adj, p=1, dim=2, eps=1e-5)
    denom = jnp.maximum(jnp.sum(jnp.abs(new_adj), axis=2, keepdims=True), 1e-5)
    normalize_new_adj = new_adj / denom
    norm_diag = jnp.diagonal(normalize_new_adj, axis1=1, axis2=2)  # [B, 2]
    EYE = jnp.ones((B, 2), jnp.float32)
    pos_penalty = jnp.mean((norm_diag - EYE) ** 2)
    selected_nodes = 1 - jnp.argmax(assignment, axis=1)
    def predict(e):
        return jax.nn.relu(e @ Wl1 + bl1) @ Wl2 + bl2
    s_out = predict(pos_embedding)   # sg_pred [B, C]
    g_out = predict(graph_embedding) # g_pred  [B, C]
    return (s_out, g_out, pos_embedding, graph_embedding, pos_penalty, assignment, x, selected_nodes)

if __name__ == "__main__":
    import jax
    _d = setup_inputs()
    print(jax.jit(kernel)(*tuple(_d.values())))

</pallas_src>

<mosaic_0001>
#map = affine_map<(d0, d1) -> (0)>
#map1 = affine_map<(d0, d1) -> (0, 0)>
module attributes {stable_mosaic.version = 14 : i64} {
  func.func @_sc_edges(%arg0: i32, %arg1: i32, %arg2: memref<10240xf32, #tpu.memory_space<hbm>>, %arg3: memref<2x160000xi32, #tpu.memory_space<hbm>>, %arg4: memref<10000xi32, #tpu.memory_space<hbm>>, %arg5: memref<32x64xf32, #tpu.memory_space<hbm>>, %arg6: memref<10240xf32, #tpu.memory_space<vmem>>, %arg7: memref<10000xi32, #tpu.memory_space<vmem>>, %arg8: memref<2x5120xi32, #tpu.memory_space<vmem>>, %arg9: memref<1056xf32, #tpu.memory_space<vmem>>, %arg10: memref<64xf32, #tpu.memory_space<vmem>>, %arg11: memref<!tpu.dma_semaphore, #tpu.memory_space<semaphore_mem>>) attributes {dimension_semantics = [#tpu.dimension_semantics<core_parallel>, #tpu.dimension_semantics<subcore_parallel>], iteration_bounds = array<i64: 2, 16>, scalar_prefetch = 0 : i64, scratch_operands = 6 : i64, tpu.core_type = #tpu.core_type<sc_vector_subcore>, window_params = [{transform_indices = #map}, {transform_indices = #map1}, {transform_indices = #map}, {transform_indices = #map1}]} {
    %mul3A = arith.constant 16 : i32
    %mul3A_0 = arith.muli %arg0, %mul3A : i32
    %add3A = arith.addi %mul3A_0, %arg1 : i32
    %mul3A_1 = arith.constant 5000 : i32
    %mul3A_2 = arith.muli %add3A, %mul3A_1 : i32
    %jit3A = arith.constant 128 : i32
    %div3A = arith.divsi %mul3A_2, %jit3A : i32
    %sign3A = arith.constant 0 : i32
    %sign3A_3 = arith.cmpi sgt, %mul3A_2, %sign3A : i32
    %sign3A_4 = arith.extui %sign3A_3 : i1 to i32
    %sign3A_5 = arith.constant 0 : i32
    %sign3A_6 = arith.cmpi slt, %mul3A_2, %sign3A_5 : i32
    %sign3A_7 = arith.extui %sign3A_6 : i1 to i32
    %sign3A_8 = arith.subi %sign3A_4, %sign3A_7 : i32
    %sign3A_9 = arith.constant 0 : i32
    %sign3A_10 = arith.cmpi sgt, %jit3A, %sign3A_9 : i32
    %sign3A_11 = arith.extui %sign3A_10 : i1 to i32
    %sign3A_12 = arith.constant 0 : i32
    %sign3A_13 = arith.cmpi slt, %jit3A, %sign3A_12 : i32
    %sign3A_14 = arith.extui %sign3A_13 : i1 to i32
    %sign3A_15 = arith.subi %sign3A_11, %sign3A_14 : i32
    %ne3A = arith.cmpi ne, %sign3A_8, %sign3A_15 : i32
    %rem3A = arith.remsi %mul3A_2, %jit3A : i32
    %ne3A_16 = arith.constant 0 : i32
    %ne3A_17 = arith.cmpi ne, %rem3A, %ne3A_16 : i32
    %and3A = arith.andi %ne3A, %ne3A_17 : i1
    %sub3A = arith.constant 1 : i32
    %sub3A_18 = arith.subi %div3A, %sub3A : i32
    %select_n3A = arith.select %and3A, %sub3A_18, %div3A : i32
    %mul3A_19 = arith.constant 128 : i32
    %mul3A_20 = arith.muli %select_n3A, %mul3A_19 : i32
    %sub3A_21 = arith.subi %mul3A_2, %mul3A_20 : i32
    tpu.enqueue_dma source(%arg2 : memref<10240xf32, #tpu.memory_space<hbm>>) target(%arg6 : memref<10240xf32, #tpu.memory_space<vmem>>) target_semaphore(%arg11 : memref<!tpu.dma_semaphore, #tpu.memory_space<semaphore_mem>>)
    tpu.enqueue_dma source(%arg4 : memref<10000xi32, #tpu.memory_space<hbm>>) target(%arg7 : memref<10000xi32, #tpu.memory_space<vmem>>) target_semaphore(%arg11 : memref<!tpu.dma_semaphore, #tpu.memory_space<semaphore_mem>>)
    %dma_start3A = arith.constant 0 : i32
    %dma_start3A_22 = tpu.memref_slice %arg3[%dma_start3A, %mul3A_20] : memref<2x160000xi32, #tpu.memory_space<hbm>> -> memref<2x5120xi32, #tpu.memory_space<hbm>>
    %dma_start3A_23 = arith.constant 0 : i32
    %dma_start3A_24 = tpu.memref_slice %arg3[%dma_start3A_23, %mul3A_20] : memref<2x160000xi32, #tpu.memory_space<hbm>> -> memref<2x5120xi32, #tpu.memory_space<hbm>>
    tpu.enqueue_dma source(%dma_start3A_24 : memref<2x5120xi32, #tpu.memory_space<hbm>>) target(%arg8 : memref<2x5120xi32, #tpu.memory_space<vmem>>) target_semaphore(%arg11 : memref<!tpu.dma_semaphore, #tpu.memory_space<semaphore_mem>>)
    %broadcast_in_dim3A = arith.constant 0.000000e+00 : f32
    %broadcast_in_dim3A_25 = vector.broadcast %broadcast_in_dim3A : f32 to vector<16xf32>
    %scan3A = arith.constant 0 : i32
    %scan3A_26 = arith.constant 0 : i32
    %scan3A_27 = arith.constant 66 : i32
    %scan3A_28 = arith.addi %scan3A_26, %scan3A_27 : i32
    %scan3A_29 = arith.constant 1 : i32
    scf.for %scan3A_128 = %scan3A_26 to %scan3A_28 step %scan3A_29  : i32 {
      %mul3A_129 = arith.constant 16 : i32
      %mul3A_130 = arith.muli %scan3A_128, %mul3A_129 : i32
      %multiple_of3A = tpu.assume_multiple %mul3A_130, 16 : i32
      %swap3A_131 = arith.index_cast %multiple_of3A : i32 to index
      %swap3A_132 = tpu.vector_load %arg9[%swap3A_131] {strides = array<i32>} : memref<1056xf32, #tpu.memory_space<vmem>>, vector<16xf32>,
      tpu.vector_store %arg9[%swap3A_131], %broadcast_in_dim3A_25 {strides = array<i32>} : memref<1056xf32, #tpu.memory_space<vmem>>, vector<16xf32>,
    }
    %scan3A_30 = arith.constant 66 : i32
    tpu.wait_dma2 semaphore(%arg11 : memref<!tpu.dma_semaphore, #tpu.memory_space<semaphore_mem>>) src(%arg2 : memref<10240xf32, #tpu.memory_space<hbm>>) dst(%arg6 : memref<10240xf32, #tpu.memory_space<vmem>>)
    tpu.wait_dma2 semaphore(%arg11 : memref<!tpu.dma_semaphore, #tpu.memory_space<semaphore_mem>>) src(%arg4 : memref<10000xi32, #tpu.memory_space<hbm>>) dst(%arg7 : memref<10000xi32, #tpu.memory_space<vmem>>)
    %dma_wait3A = arith.constant 0 : i32
    %dma_wait3A_31 = tpu.memref_slice %arg3[%dma_wait3A, %mul3A_20] : memref<2x160000xi32, #tpu.memory_space<hbm>> -> memref<2x5120xi32, #tpu.memory_space<hbm>>
    %dma_wait3A_32 = arith.constant 0 : i32
    %dma_wait3A_33 = tpu.memref_slice %arg3[%dma_wait3A_32, %mul3A_20] : memref<2x160000xi32, #tpu.memory_space<hbm>> -> memref<2x5120xi32, #tpu.memory_space<hbm>>
    tpu.wait_dma2 semaphore(%arg11 : memref<!tpu.dma_semaphore, #tpu.memory_space<semaphore_mem>>) src(%dma_wait3A_33 : memref<2x5120xi32, #tpu.memory_space<hbm>>) dst(%arg8 : memref<2x5120xi32, #tpu.memory_space<vmem>>)
    %iota3A = tpu.iota {dimensions = array<i32: 0>} : vector<16xi32>
    %mul3A_34 = arith.constant 65 : i32
    %mul3A_35 = vector.broadcast %mul3A_34 : i32 to vector<16xi32>
    %mul3A_36 = arith.muli %iota3A, %mul3A_35 : vector<16xi32>
    %broadcast_in_dim3A_37 = arith.constant 0 : i32
    %broadcast_in_dim3A_38 = vector.broadcast %broadcast_in_dim3A_37 : i32 to vector<16xi32>
    %broadcast_in_dim3A_39 = arith.constant 1 : i32
    %broadcast_in_dim3A_40 = vector.broadcast %broadcast_in_dim3A_39 : i32 to vector<16xi32>
    %broadcast_in_dim3A_41 = arith.constant 1.000000e+00 : f32
    %broadcast_in_dim3A_42 = vector.broadcast %broadcast_in_dim3A_41 : f32 to vector<16xf32>
    %parallel_loop3A = arith.constant 0 : i32
    %parallel_loop3A_43 = arith.constant 312 : i32
    %parallel_loop3A_44 = arith.constant 1 : i32
    scf.for %parallel_loop3A_128 = %parallel_loop3A to %parallel_loop3A_43 step %parallel_loop3A_44  : i32 {
      %parallel_loop3A_129 = arith.constant 16 : i32
      %parallel_loop3A_130 = arith.muli %parallel_loop3A_128, %parallel_loop3A_129 : i32
      %parallel_loop3A_131 = arith.addi %sub3A_21, %parallel_loop3A_130 : i32
      %parallel_loop3A_132 = vector.broadcast %parallel_loop3A_131 : i32 to vector<16xi32>
      %parallel_loop3A_133 = arith.addi %parallel_loop3A_132, %iota3A : vector<16xi32>
      %parallel_loop3A_134 = tpu.vector_load_idx %arg8[%broadcast_in_dim3A_38, %parallel_loop3A_133] : memref<2x5120xi32, #tpu.memory_space<vmem>>[vector<16xi32>, vector<16xi32>], vector<16xi32>,
      %parallel_loop3A_135 = tpu.vector_load_idx %arg8[%broadcast_in_dim3A_40, %parallel_loop3A_133] : memref<2x5120xi32, #tpu.memory_space<vmem>>[vector<16xi32>, vector<16xi32>], vector<16xi32>,
      %parallel_loop3A_136 = tpu.vector_load_idx %arg6[%parallel_loop3A_134] : memref<10240xf32, #tpu.memory_space<vmem>>[vector<16xi32>], vector<16xf32>,
      %parallel_loop3A_137 = tpu.vector_load_idx %arg6[%parallel_loop3A_135] : memref<10240xf32, #tpu.memory_space<vmem>>[vector<16xi32>], vector<16xf32>,
      %parallel_loop3A_138 = tpu.vector_load_idx %arg7[%parallel_loop3A_135] : memref<10000xi32, #tpu.memory_space<vmem>>[vector<16xi32>], vector<16xi32>,
      %parallel_loop3A_139 = arith.mulf %parallel_loop3A_136, %broadcast_in_dim3A_42 : vector<16xf32>
      %parallel_loop3A_140 = arith.mulf %parallel_loop3A_137, %broadcast_in_dim3A_42 : vector<16xf32>
      %parallel_loop3A_141 = arith.mulf %parallel_loop3A_136, %parallel_loop3A_140 : vector<16xf32>
      %parallel_loop3A_142 = arith.constant 4 : i32
      %parallel_loop3A_143 = vector.broadcast %parallel_loop3A_142 : i32 to vector<16xi32>
      %parallel_loop3A_144 = arith.muli %parallel_loop3A_138, %parallel_loop3A_143 : vector<16xi32>
      %parallel_loop3A_145 = arith.addi %mul3A_36, %parallel_loop3A_144 : vector<16xi32>
      tpu.vector_store_idx %arg9[%parallel_loop3A_145], %parallel_loop3A_141 {add = true} : memref<1056xf32, #tpu.memory_space<vmem>>[vector<16xi32>], vector<16xf32>,
      %parallel_loop3A_146 = arith.constant 1 : i32
      %parallel_loop3A_147 = vector.broadcast %parallel_loop3A_146 : i32 to vector<16xi32>
      %parallel_loop3A_148 = arith.addi %parallel_loop3A_145, %parallel_loop3A_147 : vector<16xi32>
      %parallel_loop3A_149 = arith.subf %parallel_loop3A_139, %parallel_loop3A_141 : vector<16xf32>
      tpu.vector_store_idx %arg9[%parallel_loop3A_148], %parallel_loop3A_149 {add = true} : memref<1056xf32, #tpu.memory_space<vmem>>[vector<16xi32>], vector<16xf32>,
      %parallel_loop3A_150 = arith.constant 2 : i32
      %parallel_loop3A_151 = vector.broadcast %parallel_loop3A_150 : i32 to vector<16xi32>
      %parallel_loop3A_152 = arith.addi %parallel_loop3A_145, %parallel_loop3A_151 : vector<16xi32>
      %parallel_loop3A_153 = arith.subf %parallel_loop3A_140, %parallel_loop3A_141 : vector<16xf32>
      tpu.vector_store_idx %arg9[%parallel_loop3A_152], %parallel_loop3A_153 {add = true} : memref<1056xf32, #tpu.memory_space<vmem>>[vector<16xi32>], vector<16xf32>,
      %parallel_loop3A_154 = arith.constant 3 : i32
      %parallel_loop3A_155 = vector.broadcast %parallel_loop3A_154 : i32 to vector<16xi32>
      %parallel_loop3A_156 = arith.addi %parallel_loop3A_145, %parallel_loop3A_155 : vector<16xi32>
      %parallel_loop3A_157 = arith.subf %broadcast_in_dim3A_42, %parallel_loop3A_139 : vector<16xf32>
      %parallel_loop3A_158 = arith.subf %parallel_loop3A_157, %parallel_loop3A_140 : vector<16xf32>
      %parallel_loop3A_159 = arith.addf %parallel_loop3A_158, %parallel_loop3A_141 : vector<16xf32>
      tpu.vector_store_idx %arg9[%parallel_loop3A_156], %parallel_loop3A_159 {add = true} : memref<1056xf32, #tpu.memory_space<vmem>>[vector<16xi32>], vector<16xf32>,
    } {sc.loop_unroll_factor = 2 : i64, sc.parallel_access}
    %ge3A = arith.constant 8 : i32
    %ge3A_45 = vector.broadcast %ge3A : i32 to vector<16xi32>
    %ge3A_46 = arith.cmpi sge, %iota3A, %ge3A_45 : vector<16xi32>
    %jit3A_47 = arith.constant 1.000000e+00 : f32
    %jit3A_48 = arith.constant 0.000000e+00 : f32
    %broadcast_in_dim3A_49 = vector.broadcast %jit3A_47 : f32 to vector<16xf32>
    %broadcast_in_dim3A_50 = vector.broadcast %jit3A_48 : f32 to vector<16xf32>
    %select_n3A_51 = arith.select %ge3A_46, %broadcast_in_dim3A_49, %broadcast_in_dim3A_50 : vector<16xi1>, vector<16xf32>
    %add3A_52 = arith.constant 4984 : i32
    %add3A_53 = arith.addi %sub3A_21, %add3A_52 : i32
    %add3A_54 = vector.broadcast %add3A_53 : i32 to vector<16xi32>
    %add3A_55 = arith.addi %add3A_54, %iota3A : vector<16xi32>
    %gather3A = tpu.vector_load_idx %arg8[%broadcast_in_dim3A_38, %add3A_55] : memref<2x5120xi32, #tpu.memory_space<vmem>>[vector<16xi32>, vector<16xi32>], vector<16xi32>,
    %gather3A_56 = tpu.vector_load_idx %arg8[%broadcast_in_dim3A_40, %add3A_55] : memref<2x5120xi32, #tpu.memory_space<vmem>>[vector<16xi32>, vector<16xi32>], vector<16xi32>,
    %gather3A_57 = tpu.vector_load_idx %arg6[%gather3A] : memref<10240xf32, #tpu.memory_space<vmem>>[vector<16xi32>], vector<16xf32>,
    %gather3A_58 = tpu.vector_load_idx %arg6[%gather3A_56] : memref<10240xf32, #tpu.memory_space<vmem>>[vector<16xi32>], vector<16xf32>,
    %gather3A_59 = tpu.vector_load_idx %arg7[%gather3A_56] : memref<10000xi32, #tpu.memory_space<vmem>>[vector<16xi32>], vector<16xi32>,
    %mul3A_60 = arith.mulf %gather3A_57, %select_n3A_51 : vector<16xf32>
    %mul3A_61 = arith.mulf %gather3A_58, %select_n3A_51 : vector<16xf32>
    %mul3A_62 = arith.mulf %gather3A_57, %mul3A_61 : vector<16xf32>
    %mul3A_63 = arith.constant 4 : i32
    %mul3A_64 = vector.broadcast %mul3A_63 : i32 to vector<16xi32>
    %mul3A_65 = arith.muli %gather3A_59, %mul3A_64 : vector<16xi32>
    %add3A_66 = arith.addi %mul3A_36, %mul3A_65 : vector<16xi32>
    tpu.vector_store_idx %arg9[%add3A_66], %mul3A_62 {add = true} : memref<1056xf32, #tpu.memory_space<vmem>>[vector<16xi32>], vector<16xf32>,
    %add3A_67 = arith.constant 1 : i32
    %add3A_68 = vector.broadcast %add3A_67 : i32 to vector<16xi32>
    %add3A_69 = arith.addi %add3A_66, %add3A_68 : vector<16xi32>
    %sub3A_70 = arith.subf %mul3A_60, %mul3A_62 : vector<16xf32>
    tpu.vector_store_idx %arg9[%add3A_69], %sub3A_70 {add = true} : memref<1056xf32, #tpu.memory_space<vmem>>[vector<16xi32>], vector<16xf32>,
    %add3A_71 = arith.constant 2 : i32
    %add3A_72 = vector.broadcast %add3A_71 : i32 to vector<16xi32>
    %add3A_73 = arith.addi %add3A_66, %add3A_72 : vector<16xi32>
    %sub3A_74 = arith.subf %mul3A_61, %mul3A_62 : vector<16xf32>
    tpu.vector_store_idx %arg9[%add3A_73], %sub3A_74 {add = true} : memref<1056xf32, #tpu.memory_space<vmem>>[vector<16xi32>], vector<16xf32>,
    %add3A_75 = arith.constant 3 : i32
    %add3A_76 = vector.broadcast %add3A_75 : i32 to vector<16xi32>
    %add3A_77 = arith.addi %add3A_66, %add3A_76 : vector<16xi32>
    %sub3A_78 = arith.subf %select_n3A_51, %mul3A_60 : vector<16xf32>
    %sub3A_79 = arith.subf %sub3A_78, %mul3A_61 : vector<16xf32>
    %add3A_80 = arith.addf %sub3A_79, %mul3A_62 : vector<16xf32>
    tpu.vector_store_idx %arg9[%add3A_77], %add3A_80 {add = true} : memref<1056xf32, #tpu.memory_space<vmem>>[vector<16xi32>], vector<16xf32>,
    %add3A_81 = arith.constant 0 : i32
    %add3A_82 = vector.broadcast %add3A_81 : i32 to vector<16xi32>
    %add3A_83 = arith.addi %add3A_82, %iota3A : vector<16xi32>
    %gather3A_84 = tpu.vector_load_idx %arg9[%add3A_83] : memref<1056xf32, #tpu.memory_space<vmem>>[vector<16xi32>], vector<16xf32>,
    %scan3A_85 = arith.constant 1 : i32
    %scan3A_86 = arith.constant 15 : i32
    %scan3A_87 = arith.addi %scan3A_85, %scan3A_86 : i32
    %scan3A_88 = arith.constant 1 : i32
    %scan3A_89 = scf.for %scan3A_128 = %scan3A_85 to %scan3A_87 step %scan3A_88 iter_args(%scan3A_129 = %gather3A_84) -> (vector<16xf32>)  : i32 {
      %mul3A_130 = arith.constant 65 : i32
      %mul3A_131 = arith.muli %scan3A_128, %mul3A_130 : i32
      %add3A_132 = arith.constant 0 : i32
      %add3A_133 = arith.addi %mul3A_131, %add3A_132 : i32
      %add3A_134 = vector.broadcast %add3A_133 : i32 to vector<16xi32>
      %add3A_135 = arith.addi %add3A_134, %iota3A : vector<16xi32>
      %gather3A_136 = tpu.vector_load_idx %arg9[%add3A_135] : memref<1056xf32, #tpu.memory_space<vmem>>[vector<16xi32>], vector<16xf32>,
      %add3A_137 = arith.addf %scan3A_129, %gather3A_136 : vector<16xf32>
      scf.yield %add3A_137 : vector<16xf32>
    }
    %scan3A_90 = arith.constant 15 : i32
    %swap3A = arith.constant 0 : index
    %swap3A_91 = tpu.vector_load %arg10[%swap3A] {strides = array<i32>} : memref<64xf32, #tpu.memory_space<vmem>>, vector<16xf32>,
    tpu.vector_store %arg10[%swap3A], %scan3A_89 {strides = array<i32>} : memref<64xf32, #tpu.memory_space<vmem>>, vector<16xf32>,
    %add3A_92 = arith.constant 16 : i32
    %add3A_93 = vector.broadcast %add3A_92 : i32 to vector<16xi32>
    %add3A_94 = arith.addi %add3A_93, %iota3A : vector<16xi32>
    %gather3A_95 = tpu.vector_load_idx %arg9[%add3A_94] : memref<1056xf32, #tpu.memory_space<vmem>>[vector<16xi32>], vector<16xf32>,
    %scan3A_96 = arith.constant 1 : i32
    %scan3A_97 = arith.constant 15 : i32
    %scan3A_98 = arith.addi %scan3A_96, %scan3A_97 : i32
    %scan3A_99 = arith.constant 1 : i32
    %scan3A_100 = scf.for %scan3A_128 = %scan3A_96 to %scan3A_98 step %scan3A_99 iter_args(%scan3A_129 = %gather3A_95) -> (vector<16xf32>)  : i32 {
      %mul3A_130 = arith.constant 65 : i32
      %mul3A_131 = arith.muli %scan3A_128, %mul3A_130 : i32
      %add3A_132 = arith.constant 16 : i32
      %add3A_133 = arith.addi %mul3A_131, %add3A_132 : i32
      %add3A_134 = vector.broadcast %add3A_133 : i32 to vector<16xi32>
      %add3A_135 = arith.addi %add3A_134, %iota3A : vector<16xi32>
      %gather3A_136 = tpu.vector_load_idx %arg9[%add3A_135] : memref<1056xf32, #tpu.memory_space<vmem>>[vector<16xi32>], vector<16xf32>,
      %add3A_137 = arith.addf %scan3A_129, %gather3A_136 : vector<16xf32>
      scf.yield %add3A_137 : vector<16xf32>
    }
    %scan3A_101 = arith.constant 15 : i32
    %swap3A_102 = arith.constant 16 : index
    %swap3A_103 = tpu.vector_load %arg10[%swap3A_102] {strides = array<i32>} : memref<64xf32, #tpu.memory_space<vmem>>, vector<16xf32>,
    tpu.vector_store %arg10[%swap3A_102], %scan3A_100 {strides = array<i32>} : memref<64xf32, #tpu.memory_space<vmem>>, vector<16xf32>,
    %add3A_104 = arith.constant 32 : i32
    %add3A_105 = vector.broadcast %add3A_104 : i32 to vector<16xi32>
    %add3A_106 = arith.addi %add3A_105, %iota3A : vector<16xi32>
    %gather3A_107 = tpu.vector_load_idx %arg9[%add3A_106] : memref<1056xf32, #tpu.memory_space<vmem>>[vector<16xi32>], vector<16xf32>,
    %scan3A_108 = arith.constant 1 : i32
    %scan3A_109 = arith.constant 15 : i32
    %scan3A_110 = arith.addi %scan3A_108, %scan3A_109 : i32
    %scan3A_111 = arith.constant 1 : i32
    %scan3A_112 = scf.for %scan3A_128 = %scan3A_108 to %scan3A_110 step %scan3A_111 iter_args(%scan3A_129 = %gather3A_107) -> (vector<16xf32>)  : i32 {
      %mul3A_130 = arith.constant 65 : i32
      %mul3A_131 = arith.muli %scan3A_128, %mul3A_130 : i32
      %add3A_132 = arith.constant 32 : i32
      %add3A_133 = arith.addi %mul3A_131, %add3A_132 : i32
      %add3A_134 = vector.broadcast %add3A_133 : i32 to vector<16xi32>
      %add3A_135 = arith.addi %add3A_134, %iota3A : vector<16xi32>
      %gather3A_136 = tpu.vector_load_idx %arg9[%add3A_135] : memref<1056xf32, #tpu.memory_space<vmem>>[vector<16xi32>], vector<16xf32>,
      %add3A_137 = arith.addf %scan3A_129, %gather3A_136 : vector<16xf32>
      scf.yield %add3A_137 : vector<16xf32>
    }
    %scan3A_113 = arith.constant 15 : i32
    %swap3A_114 = arith.constant 32 : index
    %swap3A_115 = tpu.vector_load %arg10[%swap3A_114] {strides = array<i32>} : memref<64xf32, #tpu.memory_space<vmem>>, vector<16xf32>,
    tpu.vector_store %arg10[%swap3A_114], %scan3A_112 {strides = array<i32>} : memref<64xf32, #tpu.memory_space<vmem>>, vector<16xf32>,
    %add3A_116 = arith.constant 48 : i32
    %add3A_117 = vector.broadcast %add3A_116 : i32 to vector<16xi32>
    %add3A_118 = arith.addi %add3A_117, %iota3A : vector<16xi32>
    %gather3A_119 = tpu.vector_load_idx %arg9[%add3A_118] : memref<1056xf32, #tpu.memory_space<vmem>>[vector<16xi32>], vector<16xf32>,
    %scan3A_120 = arith.constant 1 : i32
    %scan3A_121 = arith.constant 15 : i32
    %scan3A_122 = arith.addi %scan3A_120, %scan3A_121 : i32
    %scan3A_123 = arith.constant 1 : i32
    %scan3A_124 = scf.for %scan3A_128 = %scan3A_120 to %scan3A_122 step %scan3A_123 iter_args(%scan3A_129 = %gather3A_119) -> (vector<16xf32>)  : i32 {
      %mul3A_130 = arith.constant 65 : i32
      %mul3A_131 = arith.muli %scan3A_128, %mul3A_130 : i32
      %add3A_132 = arith.constant 48 : i32
      %add3A_133 = arith.addi %mul3A_131, %add3A_132 : i32
      %add3A_134 = vector.broadcast %add3A_133 : i32 to vector<16xi32>
      %add3A_135 = arith.addi %add3A_134, %iota3A : vector<16xi32>
      %gather3A_136 = tpu.vector_load_idx %arg9[%add3A_135] : memref<1056xf32, #tpu.memory_space<vmem>>[vector<16xi32>], vector<16xf32>,
      %add3A_137 = arith.addf %scan3A_129, %gather3A_136 : vector<16xf32>
      scf.yield %add3A_137 : vector<16xf32>
    }
    %scan3A_125 = arith.constant 15 : i32
    %swap3A_126 = arith.constant 48 : index
    %swap3A_127 = tpu.vector_load %arg10[%swap3A_126] {strides = array<i32>} : memref<64xf32, #tpu.memory_space<vmem>>, vector<16xf32>,
    tpu.vector_store %arg10[%swap3A_126], %scan3A_124 {strides = array<i32>} : memref<64xf32, #tpu.memory_space<vmem>>, vector<16xf32>,
    "tpu.region"() ({
      %run_scoped3A = tpu.sem_alloc : memref<!tpu.dma_semaphore, #tpu.memory_space<semaphore_mem>>
      %dma_start3A_128 = arith.constant 0 : i32
      %dma_start3A_129 = tpu.memref_slice %arg5[%add3A, %dma_start3A_128] : memref<32x64xf32, #tpu.memory_space<hbm>> -> memref<1x64xf32, #tpu.memory_space<hbm>>
      %dma_start3A_130 = tpu.memref_squeeze %dma_start3A_129 : memref<1x64xf32, #tpu.memory_space<hbm>> -> memref<64xf32, #tpu.memory_space<hbm>>
      %dma_start3A_131 = arith.constant 0 : i32
      %dma_start3A_132 = tpu.memref_slice %arg5[%add3A, %dma_start3A_131] : memref<32x64xf32, #tpu.memory_space<hbm>> -> memref<1x64xf32, #tpu.memory_space<hbm>>
      %dma_start3A_133 = tpu.memref_squeeze %dma_start3A_132 : memref<1x64xf32, #tpu.memory_space<hbm>> -> memref<64xf32, #tpu.memory_space<hbm>>
      tpu.enqueue_dma source(%arg10 : memref<64xf32, #tpu.memory_space<vmem>>) target(%dma_start3A_133 : memref<64xf32, #tpu.memory_space<hbm>>) target_semaphore(%run_scoped3A : memref<!tpu.dma_semaphore, #tpu.memory_space<semaphore_mem>>)
      %dma_wait3A_134 = arith.constant 0 : i32
      %dma_wait3A_135 = tpu.memref_slice %arg5[%add3A, %dma_wait3A_134] : memref<32x64xf32, #tpu.memory_space<hbm>> -> memref<1x64xf32, #tpu.memory_space<hbm>>
      %dma_wait3A_136 = tpu.memref_squeeze %dma_wait3A_135 : memref<1x64xf32, #tpu.memory_space<hbm>> -> memref<64xf32, #tpu.memory_space<hbm>>
      %dma_wait3A_137 = arith.constant 0 : i32
      %dma_wait3A_138 = tpu.memref_slice %arg5[%add3A, %dma_wait3A_137] : memref<32x64xf32, #tpu.memory_space<hbm>> -> memref<1x64xf32, #tpu.memory_space<hbm>>
      %dma_wait3A_139 = tpu.memref_squeeze %dma_wait3A_138 : memref<1x64xf32, #tpu.memory_space<hbm>> -> memref<64xf32, #tpu.memory_space<hbm>>
      tpu.wait_dma2 semaphore(%run_scoped3A : memref<!tpu.dma_semaphore, #tpu.memory_space<semaphore_mem>>) src(%arg10 : memref<64xf32, #tpu.memory_space<vmem>>) dst(%dma_wait3A_139 : memref<64xf32, #tpu.memory_space<hbm>>)
      tpu.yield
    }) : () -> ()
    return
  }
}

module attributes {stable_mosaic.version = 14 : i64} {
  func.func @_tc_xcopy_body(%arg0: i32, %arg1: memref<2048x256xf32, #tpu.memory_space<vmem>>, %arg2: memref<2048x256xf32, #tpu.memory_space<vmem>>) attributes {dimension_semantics = [#tpu.dimension_semantics<arbitrary>], iteration_bounds = array<i64: 5>, scalar_prefetch = 0 : i64, scratch_operands = 0 : i64, tpu.core_type = #tpu.core_type<tc>, window_params = [{transform_indices = @transform_0, window_bounds = array<i64: 2048, 256>}, {transform_indices = @transform_1, window_bounds = array<i64: 2048, 256>}]} {
    %get3A = arith.constant 0 : index
    %get3A_0 = arith.constant 0 : index
    %get3A_1 = vector.load %arg1[%get3A, %get3A_0] : memref<2048x256xf32, #tpu.memory_space<vmem>>, vector<2048x256xf32>
    %swap3A = arith.constant 0 : index
    %swap3A_2 = arith.constant 0 : index
    %swap3A_3 = vector.load %arg2[%swap3A, %swap3A_2] : memref<2048x256xf32, #tpu.memory_space<vmem>>, vector<2048x256xf32>
    tpu.vector_store %arg2[%swap3A, %swap3A_2], %get3A_1 {strides = array<i32>} : memref<2048x256xf32, #tpu.memory_space<vmem>>, vector<2048x256xf32>,
    return
  }
  func.func @transform_0(%arg0: i32) -> (i32, i32) {
    %c0_i32 = arith.constant 0 : i32
    %c0_i32_0 = arith.constant 0 : i32
    return %arg0, %c0_i32 : i32, i32
  }
  func.func @transform_1(%arg0: i32) -> (i32, i32) {
    %c0_i32 = arith.constant 0 : i32
    %c0_i32_0 = arith.constant 0 : i32
    return %arg0, %c0_i32 : i32, i32
  }
}

module attributes {stable_mosaic.version = 14 : i64} {
  func.func @_tc_main_body(%arg0: i32, %arg1: memref<2048x256xf32, #tpu.memory_space<vmem>>, %arg2: memref<256x256xf32, #tpu.memory_space<vmem>>, %arg3: memref<1x256xf32, #tpu.memory_space<vmem>>, %arg4: memref<2x256xf32, #tpu.memory_space<vmem>>, %arg5: memref<2x1xf32, #tpu.memory_space<vmem>>, %arg6: memref<2048xi32, #tpu.memory_space<vmem>>, %arg7: memref<256x256xf32, #tpu.memory_space<vmem>>, %arg8: memref<1x256xf32, #tpu.memory_space<vmem>>, %arg9: memref<2x256xf32, #tpu.memory_space<vmem>>, %arg10: memref<2x1xf32, #tpu.memory_space<vmem>>, %arg11: memref<2x2048xf32, #tpu.memory_space<vmem>>, %arg12: memref<1x2048xf32, #tpu.memory_space<vmem>>, %arg13: memref<1x2048xi32, #tpu.memory_space<vmem>>, %arg14: memref<16x256xf32, #tpu.memory_space<vmem>>, %arg15: memref<16x256xf32, #tpu.memory_space<vmem>>, %arg16: memref<2x16xf32, #tpu.memory_space<vmem>>, %arg17: memref<2x16xf32, #tpu.memory_space<vmem>>) attributes {dimension_semantics = [#tpu.dimension_semantics<arbitrary>], iteration_bounds = array<i64: 5>, scalar_prefetch = 0 : i64, scratch_operands = 0 : i64, tpu.core_type = #tpu.core_type<tc>, window_params = [{transform_indices = @transform_0, window_bounds = array<i64: 2048, 256>}, {pipeline_mode = #tpu.pipeline_mode<synchronous>, transform_indices = @transform_1, window_bounds = array<i64: 256, 256>}, {pipeline_mode = #tpu.pipeline_mode<synchronous>, transform_indices = @transform_2, window_bounds = array<i64: 1, 256>}, {pipeline_mode = #tpu.pipeline_mode<synchronous>, transform_indices = @transform_3, window_bounds = array<i64: 2, 256>}, {pipeline_mode = #tpu.pipeline_mode<synchronous>, transform_indices = @transform_4, window_bounds = array<i64: 2, 1>}, {transform_indices = @transform_5, window_bounds = array<i64: 2048>}, {pipeline_mode = #tpu.pipeline_mode<synchronous>, transform_indices = @transform_6, window_bounds = array<i64: 256, 256>}, {pipeline_mode = #tpu.pipeline_mode<synchronous>, transform_indices = @transform_7, window_bounds = array<i64: 1, 256>}, {pipeline_mode = #tpu.pipeline_mode<synchronous>, transform_indices = @transform_8, window_bounds = array<i64: 2, 256>}, {pipeline_mode = #tpu.pipeline_mode<synchronous>, transform_indices = @transform_9, window_bounds = array<i64: 2, 1>}, {transform_indices = @transform_10, window_bounds = array<i64: 2, 2048>}, {transform_indices = @transform_11, window_bounds = array<i64: 1, 2048>}, {transform_indices = @transform_12, window_bounds = array<i64: 1, 2048>}, {pipeline_mode = #tpu.pipeline_mode<synchronous>, transform_indices = @transform_13, window_bounds = array<i64: 16, 256>}, {pipeline_mode = #tpu.pipeline_mode<synchronous>, transform_indices = @transform_14, window_bounds = array<i64: 16, 256>}, {pipeline_mode = #tpu.pipeline_mode<synchronous>, transform_indices = @transform_15, window_bounds = array<i64: 2, 16>}, {pipeline_mode = #tpu.pipeline_mode<synchronous>, transform_indices = @transform_16, window_bounds = array<i64: 2, 16>}]} {
    %iota3A = tpu.iota {dimensions = array<i32: 0>} : vector<2048x1xi32>
    %mul3A = arith.constant 2048 : i32
    %mul3A_0 = arith.muli %arg0, %mul3A : i32
    %add3A = vector.broadcast %mul3A_0 : i32 to vector<2048x1xi32>
    %add3A_1 = arith.addi %iota3A, %add3A : vector<2048x1xi32>
    %lt3A = arith.constant 10000 : i32
    %lt3A_2 = vector.broadcast %lt3A : i32 to vector<2048x1xi32>
    %lt3A_3 = arith.cmpi slt, %add3A_1, %lt3A_2 : vector<2048x1xi32>
    %get3A = arith.constant 0 : index
    %get3A_4 = arith.constant 0 : index
    %get3A_5 = vector.load %arg1[%get3A, %get3A_4] : memref<2048x256xf32, #tpu.memory_space<vmem>>, vector<2048x256xf32>
    %jit3A = arith.constant 0.000000e+00 : f32
    %broadcast_in_dim3A = vector.shape_cast %lt3A_3 : vector<2048x1xi1> to vector<2048x1xi1>
    %broadcast_in_dim3A_6 = vector.broadcast %broadcast_in_dim3A : vector<2048x1xi1> to vector<2048x256xi1>
    %broadcast_in_dim3A_7 = vector.broadcast %jit3A : f32 to vector<2048x256xf32>
    %select_n3A = arith.select %broadcast_in_dim3A_6, %get3A_5, %broadcast_in_dim3A_7 : vector<2048x256xi1>, vector<2048x256xf32>
    %get3A_8 = arith.constant 0 : index
    %get3A_9 = arith.constant 0 : index
    %get3A_10 = vector.load %arg2[%get3A_8, %get3A_9] : memref<256x256xf32, #tpu.memory_space<vmem>>, vector<256x256xf32>
    %dot_general3A = arith.constant dense<0.000000e+00> : vector<2048x256xf32>
    %dot_general3A_11 = tpu.matmul %select_n3A, %get3A_10, %dot_general3A {dimension_numbers = #tpu.dot_dimension_numbers<[1], [0], [0], [1], [0, 0, 1, 1], [], []>, transpose_lhs_hint = false} : vector<2048x256xf32>, vector<256x256xf32>, vector<2048x256xf32> -> vector<2048x256xf32>
    %get3A_12 = arith.constant 0 : index
    %get3A_13 = arith.constant 0 : index
    %get3A_14 = vector.load %arg3[%get3A_12, %get3A_13] : memref<1x256xf32, #tpu.memory_space<vmem>>, vector<1x256xf32>
    %add3A_15 = vector.broadcast %get3A_14 : vector<1x256xf32> to vector<2048x256xf32>
    %add3A_16 = arith.addf %dot_general3A_11, %add3A_15 : vector<2048x256xf32>
    %max3A = arith.constant 0.000000e+00 : f32
    %max3A_17 = vector.broadcast %max3A : f32 to vector<2048x256xf32>
    %max3A_18 = arith.maximumf %add3A_16, %max3A_17 : vector<2048x256xf32>
    %get3A_19 = arith.constant 0 : index
    %get3A_20 = arith.constant 0 : index
    %get3A_21 = vector.load %arg4[%get3A_19, %get3A_20] : memref<2x256xf32, #tpu.memory_space<vmem>>, vector<2x256xf32>
    %dot_general3A_22 = arith.constant dense<0.000000e+00> : vector<2x2048xf32>
    %dot_general3A_23 = tpu.matmul %get3A_21, %max3A_18, %dot_general3A_22 {dimension_numbers = #tpu.dot_dimension_numbers<[1], [1], [0], [0], [0, 0, 1, 0], [], []>, transpose_lhs_hint = false} : vector<2x256xf32>, vector<2048x256xf32>, vector<2x2048xf32> -> vector<2x2048xf32>
    %get3A_24 = arith.constant 0 : index
    %get3A_25 = arith.constant 0 : index
    %get3A_26 = vector.load %arg5[%get3A_24, %get3A_25] : memref<2x1xf32, #tpu.memory_space<vmem>>, vector<2x1xf32>
    %add3A_27 = vector.broadcast %get3A_26 : vector<2x1xf32> to vector<2x2048xf32>
    %add3A_28 = arith.addf %dot_general3A_23, %add3A_27 : vector<2x2048xf32>
    %reduce_max3A = arith.constant dense<0xFF800000> : vector<2048xf32>
    %reduce_max3A_29 = vector.multi_reduction <maximumf>, %add3A_28, %reduce_max3A [0] : vector<2x2048xf32> to vector<2048xf32>
    %broadcast_in_dim3A_30 = vector.shape_cast %reduce_max3A_29 : vector<2048xf32> to vector<1x2048xf32>
    %sub3A = vector.broadcast %broadcast_in_dim3A_30 : vector<1x2048xf32> to vector<2x2048xf32>
    %sub3A_31 = arith.subf %add3A_28, %sub3A : vector<2x2048xf32>
    %exp3A = math.exp %sub3A_31 : vector<2x2048xf32>
    %reduce_sum3A = arith.constant dense<0.000000e+00> : vector<2048xf32>
    %reduce_sum3A_32 = vector.multi_reduction <add>, %exp3A, %reduce_sum3A [0] : vector<2x2048xf32> to vector<2048xf32>
    %broadcast_in_dim3A_33 = vector.shape_cast %reduce_sum3A_32 : vector<2048xf32> to vector<1x2048xf32>
    %div3A = vector.broadcast %broadcast_in_dim3A_33 : vector<1x2048xf32> to vector<2x2048xf32>
    %div3A_34 = arith.divf %exp3A, %div3A : vector<2x2048xf32>
    %swap3A = arith.constant 0 : index
    %swap3A_35 = arith.constant 0 : index
    %swap3A_36 = vector.load %arg11[%swap3A, %swap3A_35] : memref<2x2048xf32, #tpu.memory_space<vmem>>, vector<2x2048xf32>
    tpu.vector_store %arg11[%swap3A, %swap3A_35], %div3A_34 {strides = array<i32>} : memref<2x2048xf32, #tpu.memory_space<vmem>>, vector<2x2048xf32>,
    %slice3A = vector.extract_strided_slice %div3A_34 {offsets = [0, 0], sizes = [1, 2048], strides = [1, 1]} : vector<2x2048xf32> to vector<1x2048xf32>
    %swap3A_37 = arith.constant 0 : index
    %swap3A_38 = arith.constant 0 : index
    %swap3A_39 = vector.load %arg12[%swap3A_37, %swap3A_38] : memref<1x2048xf32, #tpu.memory_space<vmem>>, vector<1x2048xf32>
    tpu.vector_store %arg12[%swap3A_37, %swap3A_38], %slice3A {strides = array<i32>} : memref<1x2048xf32, #tpu.memory_space<vmem>>, vector<1x2048xf32>,
    %slice3A_40 = vector.extract_strided_slice %div3A_34 {offsets = [1, 0], sizes = [1, 2048], strides = [1, 1]} : vector<2x2048xf32> to vector<1x2048xf32>
    %ge3A = arith.cmpf oge, %slice3A, %slice3A_40 : vector<1x2048xf32>
    %convert_element_type3A = arith.extui %ge3A : vector<1x2048xi1> to vector<1x2048xi32>
    %swap3A_41 = arith.constant 0 : index
    %swap3A_42 = arith.constant 0 : index
    %swap3A_43 = vector.load %arg13[%swap3A_41, %swap3A_42] : memref<1x2048xi32, #tpu.memory_space<vmem>>, vector<1x2048xi32>
    tpu.vector_store %arg13[%swap3A_41, %swap3A_42], %convert_element_type3A {strides = array<i32>} : memref<1x2048xi32, #tpu.memory_space<vmem>>, vector<1x2048xi32>,
    %get3A_44 = arith.constant 0 : index
    %get3A_45 = vector.load %arg6[%get3A_44] : memref<2048xi32, #tpu.memory_space<vmem>>, vector<2048xi32>
    %reshape3A = vector.shape_cast %get3A_45 : vector<2048xi32> to vector<1x2048xi32>
    %iota3A_46 = tpu.iota {dimensions = array<i32: 0>} : vector<16x1xi32>
    %eq3A = vector.broadcast %reshape3A : vector<1x2048xi32> to vector<16x2048xi32>
    %eq3A_47 = vector.broadcast %iota3A_46 : vector<16x1xi32> to vector<16x2048xi32>
    %eq3A_48 = arith.cmpi eq, %eq3A, %eq3A_47 : vector<16x2048xi32>
    %jit3A_49 = arith.constant 1.000000e+00 : f32
    %jit3A_50 = arith.constant 0.000000e+00 : f32
    %broadcast_in_dim3A_51 = vector.broadcast %jit3A_49 : f32 to vector<16x2048xf32>
    %broadcast_in_dim3A_52 = vector.broadcast %jit3A_50 : f32 to vector<16x2048xf32>
    %select_n3A_53 = arith.select %eq3A_48, %broadcast_in_dim3A_51, %broadcast_in_dim3A_52 : vector<16x2048xi1>, vector<16x2048xf32>
    %dot_general3A_54 = arith.constant dense<0.000000e+00> : vector<16x256xf32>
    %dot_general3A_55 = tpu.matmul %select_n3A_53, %select_n3A, %dot_general3A_54 {dimension_numbers = #tpu.dot_dimension_numbers<[1], [0], [0], [1], [0, 0, 1, 1], [], []>, transpose_lhs_hint = false} : vector<16x2048xf32>, vector<2048x256xf32>, vector<16x256xf32> -> vector<16x256xf32>
    %mul3A_56 = vector.broadcast %slice3A : vector<1x2048xf32> to vector<16x2048xf32>
    %mul3A_57 = arith.mulf %select_n3A_53, %mul3A_56 : vector<16x2048xf32>
    %dot_general3A_58 = arith.constant dense<0.000000e+00> : vector<16x256xf32>
    %dot_general3A_59 = tpu.matmul %mul3A_57, %select_n3A, %dot_general3A_58 {dimension_numbers = #tpu.dot_dimension_numbers<[1], [0], [0], [1], [0, 0, 1, 1], [], []>, transpose_lhs_hint = false} : vector<16x2048xf32>, vector<2048x256xf32>, vector<16x256xf32> -> vector<16x256xf32>
    %eq3A_60 = arith.constant 0 : i32
    %eq3A_61 = arith.cmpi eq, %arg0, %eq3A_60 : i32
    %convert_element_type3A_62 = arith.extui %eq3A_61 : i1 to i32
    %cond3A = arith.constant 0 : i32
    %cond3A_63 = arith.cmpi ne, %convert_element_type3A_62, %cond3A : i32
    scf.if %cond3A_63 {
      %broadcast_in_dim3A_83 = arith.constant 0.000000e+00 : f32
      %broadcast_in_dim3A_84 = vector.broadcast %broadcast_in_dim3A_83 : f32 to vector<16x256xf32>
      %swap3A_85 = arith.constant 0 : index
      %swap3A_86 = arith.constant 0 : index
      %swap3A_87 = vector.load %arg14[%swap3A_85, %swap3A_86] : memref<16x256xf32, #tpu.memory_space<vmem>>, vector<16x256xf32>
      tpu.vector_store %arg14[%swap3A_85, %swap3A_86], %broadcast_in_dim3A_84 {strides = array<i32>} : memref<16x256xf32, #tpu.memory_space<vmem>>, vector<16x256xf32>,
      %broadcast_in_dim3A_88 = arith.constant 0.000000e+00 : f32
      %broadcast_in_dim3A_89 = vector.broadcast %broadcast_in_dim3A_88 : f32 to vector<16x256xf32>
      %swap3A_90 = arith.constant 0 : index
      %swap3A_91 = arith.constant 0 : index
      %swap3A_92 = vector.load %arg15[%swap3A_90, %swap3A_91] : memref<16x256xf32, #tpu.memory_space<vmem>>, vector<16x256xf32>
      tpu.vector_store %arg15[%swap3A_90, %swap3A_91], %broadcast_in_dim3A_89 {strides = array<i32>} : memref<16x256xf32, #tpu.memory_space<vmem>>, vector<16x256xf32>,
    } else {
    }
    %get3A_64 = arith.constant 0 : index
    %get3A_65 = arith.constant 0 : index
    %get3A_66 = vector.load %arg14[%get3A_64, %get3A_65] : memref<16x256xf32, #tpu.memory_space<vmem>>, vector<16x256xf32>
    %add3A_67 = arith.addf %get3A_66, %dot_general3A_59 : vector<16x256xf32>
    %swap3A_68 = arith.constant 0 : index
    %swap3A_69 = arith.constant 0 : index
    %swap3A_70 = vector.load %arg14[%swap3A_68, %swap3A_69] : memref<16x256xf32, #tpu.memory_space<vmem>>, vector<16x256xf32>
    tpu.vector_store %arg14[%swap3A_68, %swap3A_69], %add3A_67 {strides = array<i32>} : memref<16x256xf32, #tpu.memory_space<vmem>>, vector<16x256xf32>,
    %get3A_71 = arith.constant 0 : index
    %get3A_72 = arith.constant 0 : index
    %get3A_73 = vector.load %arg15[%get3A_71, %get3A_72] : memref<16x256xf32, #tpu.memory_space<vmem>>, vector<16x256xf32>
    %add3A_74 = arith.addf %get3A_73, %dot_general3A_55 : vector<16x256xf32>
    %swap3A_75 = arith.constant 0 : index
    %swap3A_76 = arith.constant 0 : index
    %swap3A_77 = vector.load %arg15[%swap3A_75, %swap3A_76] : memref<16x256xf32, #tpu.memory_space<vmem>>, vector<16x256xf32>
    tpu.vector_store %arg15[%swap3A_75, %swap3A_76], %add3A_74 {strides = array<i32>} : memref<16x256xf32, #tpu.memory_space<vmem>>, vector<16x256xf32>,
    %eq3A_78 = arith.constant 4 : i32
    %eq3A_79 = arith.cmpi eq, %arg0, %eq3A_78 : i32
    %convert_element_type3A_80 = arith.extui %eq3A_79 : i1 to i32
    %cond3A_81 = arith.constant 0 : i32
    %cond3A_82 = arith.cmpi ne, %convert_element_type3A_80, %cond3A_81 : i32
    scf.if %cond3A_82 {
      %get3A_83 = arith.constant 0 : index
      %get3A_84 = arith.constant 0 : index
      %get3A_85 = vector.load %arg14[%get3A_83, %get3A_84] : memref<16x256xf32, #tpu.memory_space<vmem>>, vector<16x256xf32>
      %get3A_86 = arith.constant 0 : index
      %get3A_87 = arith.constant 0 : index
      %get3A_88 = vector.load %arg7[%get3A_86, %get3A_87] : memref<256x256xf32, #tpu.memory_space<vmem>>, vector<256x256xf32>
      %dot_general3A_89 = arith.constant dense<0.000000e+00> : vector<16x256xf32>
      %dot_general3A_90 = tpu.matmul %get3A_85, %get3A_88, %dot_general3A_89 {dimension_numbers = #tpu.dot_dimension_numbers<[1], [0], [0], [1], [0, 0, 1, 1], [], []>, transpose_lhs_hint = false} : vector<16x256xf32>, vector<256x256xf32>, vector<16x256xf32> -> vector<16x256xf32>
      %get3A_91 = arith.constant 0 : index
      %get3A_92 = arith.constant 0 : index
      %get3A_93 = vector.load %arg8[%get3A_91, %get3A_92] : memref<1x256xf32, #tpu.memory_space<vmem>>, vector<1x256xf32>
      %add3A_94 = vector.broadcast %get3A_93 : vector<1x256xf32> to vector<16x256xf32>
      %add3A_95 = arith.addf %dot_general3A_90, %add3A_94 : vector<16x256xf32>
      %max3A_96 = arith.constant 0.000000e+00 : f32
      %max3A_97 = vector.broadcast %max3A_96 : f32 to vector<16x256xf32>
      %max3A_98 = arith.maximumf %add3A_95, %max3A_97 : vector<16x256xf32>
      %get3A_99 = arith.constant 0 : index
      %get3A_100 = arith.constant 0 : index
      %get3A_101 = vector.load %arg9[%get3A_99, %get3A_100] : memref<2x256xf32, #tpu.memory_space<vmem>>, vector<2x256xf32>
      %dot_general3A_102 = arith.constant dense<0.000000e+00> : vector<2x16xf32>
      %dot_general3A_103 = tpu.matmul %get3A_101, %max3A_98, %dot_general3A_102 {dimension_numbers = #tpu.dot_dimension_numbers<[1], [1], [0], [0], [0, 0, 1, 0], [], []>, transpose_lhs_hint = false} : vector<2x256xf32>, vector<16x256xf32>, vector<2x16xf32> -> vector<2x16xf32>
      %get3A_104 = arith.constant 0 : index
      %get3A_105 = arith.constant 0 : index
      %get3A_106 = vector.load %arg10[%get3A_104, %get3A_105] : memref<2x1xf32, #tpu.memory_space<vmem>>, vector<2x1xf32>
      %add3A_107 = vector.broadcast %get3A_106 : vector<2x1xf32> to vector<2x16xf32>
      %add3A_108 = arith.addf %dot_general3A_103, %add3A_107 : vector<2x16xf32>
      %swap3A_109 = arith.constant 0 : index
      %swap3A_110 = arith.constant 0 : index
      %swap3A_111 = vector.load %arg16[%swap3A_109, %swap3A_110] : memref<2x16xf32, #tpu.memory_space<vmem>>, vector<2x16xf32>
      tpu.vector_store %arg16[%swap3A_109, %swap3A_110], %add3A_108 {strides = array<i32>} : memref<2x16xf32, #tpu.memory_space<vmem>>, vector<2x16xf32>,
      %get3A_112 = arith.constant 0 : index
      %get3A_113 = arith.constant 0 : index
      %get3A_114 = vector.load %arg15[%get3A_112, %get3A_113] : memref<16x256xf32, #tpu.memory_space<vmem>>, vector<16x256xf32>
      %get3A_115 = arith.constant 0 : index
      %get3A_116 = arith.constant 0 : index
      %get3A_117 = vector.load %arg7[%get3A_115, %get3A_116] : memref<256x256xf32, #tpu.memory_space<vmem>>, vector<256x256xf32>
      %dot_general3A_118 = arith.constant dense<0.000000e+00> : vector<16x256xf32>
      %dot_general3A_119 = tpu.matmul %get3A_114, %get3A_117, %dot_general3A_118 {dimension_numbers = #tpu.dot_dimension_numbers<[1], [0], [0], [1], [0, 0, 1, 1], [], []>, transpose_lhs_hint = false} : vector<16x256xf32>, vector<256x256xf32>, vector<16x256xf32> -> vector<16x256xf32>
      %get3A_120 = arith.constant 0 : index
      %get3A_121 = arith.constant 0 : index
      %get3A_122 = vector.load %arg8[%get3A_120, %get3A_121] : memref<1x256xf32, #tpu.memory_space<vmem>>, vector<1x256xf32>
      %add3A_123 = vector.broadcast %get3A_122 : vector<1x256xf32> to vector<16x256xf32>
      %add3A_124 = arith.addf %dot_general3A_119, %add3A_123 : vector<16x256xf32>
      %max3A_125 = arith.constant 0.000000e+00 : f32
      %max3A_126 = vector.broadcast %max3A_125 : f32 to vector<16x256xf32>
      %max3A_127 = arith.maximumf %add3A_124, %max3A_126 : vector<16x256xf32>
      %get3A_128 = arith.constant 0 : index
      %get3A_129 = arith.constant 0 : index
      %get3A_130 = vector.load %arg9[%get3A_128, %get3A_129] : memref<2x256xf32, #tpu.memory_space<vmem>>, vector<2x256xf32>
      %dot_general3A_131 = arith.constant dense<0.000000e+00> : vector<2x16xf32>
      %dot_general3A_132 = tpu.matmul %get3A_130, %max3A_127, %dot_general3A_131 {dimension_numbers = #tpu.dot_dimension_numbers<[1], [1], [0], [0], [0, 0, 1, 0], [], []>, transpose_lhs_hint = false} : vector<2x256xf32>, vector<16x256xf32>, vector<2x16xf32> -> vector<2x16xf32>
      %get3A_133 = arith.constant 0 : index
      %get3A_134 = arith.constant 0 : index
      %get3A_135 = vector.load %arg10[%get3A_133, %get3A_134] : memref<2x1xf32, #tpu.memory_space<vmem>>, vector<2x1xf32>
      %add3A_136 = vector.broadcast %get3A_135 : vector<2x1xf32> to vector<2x16xf32>
      %add3A_137 = arith.addf %dot_general3A_132, %add3A_136 : vector<2x16xf32>
      %swap3A_138 = arith.constant 0 : index
      %swap3A_139 = arith.constant 0 : index
      %swap3A_140 = vector.load %arg17[%swap3A_138, %swap3A_139] : memref<2x16xf32, #tpu.memory_space<vmem>>, vector<2x16xf32>
      tpu.vector_store %arg17[%swap3A_138, %swap3A_139], %add3A_137 {strides = array<i32>} : memref<2x16xf32, #tpu.memory_space<vmem>>, vector<2x16xf32>,
    } else {
    }
    return
  }
  func.func @transform_0(%arg0: i32) -> (i32, i32) {
    %c0_i32 = arith.constant 0 : i32
    %c0_i32_0 = arith.constant 0 : i32
    return %arg0, %c0_i32 : i32, i32
  }
  func.func @transform_1(%arg0: i32) -> (i32, i32) {
    %c0_i32 = arith.constant 0 : i32
    %c0_i32_0 = arith.constant 0 : i32
    %c0_i32_1 = arith.constant 0 : i32
    return %c0_i32, %c0_i32_0 : i32, i32
  }
  func.func @transform_2(%arg0: i32) -> (i32, i32) {
    %c0_i32 = arith.constant 0 : i32
    %c0_i32_0 = arith.constant 0 : i32
    %c0_i32_1 = arith.constant 0 : i32
    return %c0_i32, %c0_i32_0 : i32, i32
  }
  func.func @transform_3(%arg0: i32) -> (i32, i32) {
    %c0_i32 = arith.constant 0 : i32
    %c0_i32_0 = arith.constant 0 : i32
    %c0_i32_1 = arith.constant 0 : i32
    return %c0_i32, %c0_i32_0 : i32, i32
  }
  func.func @transform_4(%arg0: i32) -> (i32, i32) {
    %c0_i32 = arith.constant 0 : i32
    %c0_i32_0 = arith.constant 0 : i32
    %c0_i32_1 = arith.constant 0 : i32
    return %c0_i32, %c0_i32_0 : i32, i32
  }
  func.func @transform_5(%arg0: i32) -> i32 {
    %c0_i32 = arith.constant 0 : i32
    return %arg0 : i32
  }
  func.func @transform_6(%arg0: i32) -> (i32, i32) {
    %c0_i32 = arith.constant 0 : i32
    %c0_i32_0 = arith.constant 0 : i32
    %c0_i32_1 = arith.constant 0 : i32
    return %c0_i32, %c0_i32_0 : i32, i32
  }
  func.func @transform_7(%arg0: i32) -> (i32, i32) {
    %c0_i32 = arith.constant 0 : i32
    %c0_i32_0 = arith.constant 0 : i32
    %c0_i32_1 = arith.constant 0 : i32
    return %c0_i32, %c0_i32_0 : i32, i32
  }
  func.func @transform_8(%arg0: i32) -> (i32, i32) {
    %c0_i32 = arith.constant 0 : i32
    %c0_i32_0 = arith.constant 0 : i32
    %c0_i32_1 = arith.constant 0 : i32
    return %c0_i32, %c0_i32_0 : i32, i32
  }
  func.func @transform_9(%arg0: i32) -> (i32, i32) {
    %c0_i32 = arith.constant 0 : i32
    %c0_i32_0 = arith.constant 0 : i32
    %c0_i32_1 = arith.constant 0 : i32
    return %c0_i32, %c0_i32_0 : i32, i32
  }
  func.func @transform_10(%arg0: i32) -> (i32, i32) {
    %c0_i32 = arith.constant 0 : i32
    %c0_i32_0 = arith.constant 0 : i32
    return %c0_i32, %arg0 : i32, i32
  }
  func.func @transform_11(%arg0: i32) -> (i32, i32) {
    %c0_i32 = arith.constant 0 : i32
    %c0_i32_0 = arith.constant 0 : i32
    return %c0_i32, %arg0 : i32, i32
  }
  func.func @transform_12(%arg0: i32) -> (i32, i32) {
    %c0_i32 = arith.constant 0 : i32
    %c0_i32_0 = arith.constant 0 : i32
    return %c0_i32, %arg0 : i32, i32
  }
  func.func @transform_13(%arg0: i32) -> (i32, i32) {
    %c0_i32 = arith.constant 0 : i32
    %c0_i32_0 = arith.constant 0 : i32
    %c0_i32_1 = arith.constant 0 : i32
    return %c0_i32, %c0_i32_0 : i32, i32
  }
  func.func @transform_14(%arg0: i32) -> (i32, i32) {
    %c0_i32 = arith.constant 0 : i32
    %c0_i32_0 = arith.constant 0 : i32
    %c0_i32_1 = arith.constant 0 : i32
    return %c0_i32, %c0_i32_0 : i32, i32
  }
  func.func @transform_15(%arg0: i32) -> (i32, i32) {
    %c0_i32 = arith.constant 0 : i32
    %c0_i32_0 = arith.constant 0 : i32
    %c0_i32_1 = arith.constant 0 : i32
    return %c0_i32, %c0_i32_0 : i32, i32
  }
  func.func @transform_16(%arg0: i32) -> (i32, i32) {
    %c0_i32 = arith.constant 0 : i32
    %c0_i32_0 = arith.constant 0 : i32
    %c0_i32_1 = arith.constant 0 : i32
    return %c0_i32, %c0_i32_0 : i32, i32
  }
}

module attributes {stable_mosaic.version = 14 : i64} {
  func.func @_tc_pen_body(%arg0: memref<32x16x4xf32, #tpu.memory_space<vmem>>, %arg1: memref<1x1xf32, #tpu.memory_space<vmem>>) attributes {dimension_semantics = [], scalar_prefetch = 0 : i64, scratch_operands = 0 : i64, tpu.core_type = #tpu.core_type<tc>} {
    %get3A = arith.constant 0 : index
    %get3A_0 = arith.constant 0 : index
    %get3A_1 = arith.constant 0 : index
    %get3A_2 = vector.load %arg0[%get3A, %get3A_0, %get3A_1] : memref<32x16x4xf32, #tpu.memory_space<vmem>>, vector<32x16x4xf32>
    %reduce_sum3A = arith.constant dense<0.000000e+00> : vector<16x4xf32>
    %reduce_sum3A_3 = vector.multi_reduction <add>, %get3A_2, %reduce_sum3A [0] : vector<32x16x4xf32> to vector<16x4xf32>
    %slice3A = vector.extract_strided_slice %reduce_sum3A_3 {offsets = [0, 0], sizes = [16, 1], strides = [1, 1]} : vector<16x4xf32> to vector<16x1xf32>
    %slice3A_4 = vector.extract_strided_slice %reduce_sum3A_3 {offsets = [0, 1], sizes = [16, 1], strides = [1, 1]} : vector<16x4xf32> to vector<16x1xf32>
    %slice3A_5 = vector.extract_strided_slice %reduce_sum3A_3 {offsets = [0, 2], sizes = [16, 1], strides = [1, 1]} : vector<16x4xf32> to vector<16x1xf32>
    %slice3A_6 = vector.extract_strided_slice %reduce_sum3A_3 {offsets = [0, 3], sizes = [16, 1], strides = [1, 1]} : vector<16x4xf32> to vector<16x1xf32>
    %abs3A = math.absf %slice3A : vector<16x1xf32>
    %abs3A_7 = math.absf %slice3A_4 : vector<16x1xf32>
    %add3A = arith.addf %abs3A, %abs3A_7 : vector<16x1xf32>
    %max3A = arith.constant 9.99999974E-6 : f32
    %max3A_8 = vector.broadcast %max3A : f32 to vector<16x1xf32>
    %max3A_9 = arith.maximumf %add3A, %max3A_8 : vector<16x1xf32>
    %abs3A_10 = math.absf %slice3A_5 : vector<16x1xf32>
    %abs3A_11 = math.absf %slice3A_6 : vector<16x1xf32>
    %add3A_12 = arith.addf %abs3A_10, %abs3A_11 : vector<16x1xf32>
    %max3A_13 = arith.constant 9.99999974E-6 : f32
    %max3A_14 = vector.broadcast %max3A_13 : f32 to vector<16x1xf32>
    %max3A_15 = arith.maximumf %add3A_12, %max3A_14 : vector<16x1xf32>
    %div3A = arith.divf %slice3A, %max3A_9 : vector<16x1xf32>
    %sub3A = arith.constant 1.000000e+00 : f32
    %sub3A_16 = vector.broadcast %sub3A : f32 to vector<16x1xf32>
    %sub3A_17 = arith.subf %div3A, %sub3A_16 : vector<16x1xf32>
    %integer_pow3A = arith.mulf %sub3A_17, %sub3A_17 : vector<16x1xf32>
    %reduce_sum3A_18 = vector.shape_cast %integer_pow3A : vector<16x1xf32> to vector<1x16x1xf32>
    %reduce_sum3A_19 = arith.constant dense<0.000000e+00> : vector<1xf32>
    %reduce_sum3A_20 = vector.multi_reduction <add>, %reduce_sum3A_18, %reduce_sum3A_19 [1, 2] : vector<1x16x1xf32> to vector<1xf32>
    %reduce_sum3A_21 = vector.shape_cast %reduce_sum3A_20 : vector<1xf32> to vector<1x1x1xf32>
    %reduce_sum3A_22 = vector.extract %reduce_sum3A_21[0, 0, 0] : f32 from vector<1x1x1xf32>
    %div3A_23 = arith.divf %slice3A_6, %max3A_15 : vector<16x1xf32>
    %sub3A_24 = arith.constant 1.000000e+00 : f32
    %sub3A_25 = vector.broadcast %sub3A_24 : f32 to vector<16x1xf32>
    %sub3A_26 = arith.subf %div3A_23, %sub3A_25 : vector<16x1xf32>
    %integer_pow3A_27 = arith.mulf %sub3A_26, %sub3A_26 : vector<16x1xf32>
    %reduce_sum3A_28 = vector.shape_cast %integer_pow3A_27 : vector<16x1xf32> to vector<1x16x1xf32>
    %reduce_sum3A_29 = arith.constant dense<0.000000e+00> : vector<1xf32>
    %reduce_sum3A_30 = vector.multi_reduction <add>, %reduce_sum3A_28, %reduce_sum3A_29 [1, 2] : vector<1x16x1xf32> to vector<1xf32>
    %reduce_sum3A_31 = vector.shape_cast %reduce_sum3A_30 : vector<1xf32> to vector<1x1x1xf32>
    %reduce_sum3A_32 = vector.extract %reduce_sum3A_31[0, 0, 0] : f32 from vector<1x1x1xf32>
    %add3A_33 = arith.addf %reduce_sum3A_22, %reduce_sum3A_32 : f32
    %div3A_34 = arith.constant 3.200000e+01 : f32
    %div3A_35 = arith.divf %add3A_33, %div3A_34 : f32
    %reshape3A = vector.broadcast %div3A_35 : f32 to vector<1x1xf32>
    %swap3A = arith.constant 0 : index
    %swap3A_36 = arith.constant 0 : index
    %swap3A_37 = vector.load %arg1[%swap3A, %swap3A_36] : memref<1x1xf32, #tpu.memory_space<vmem>>, vector<1x1xf32>
    tpu.vector_store %arg1[%swap3A, %swap3A_36], %reshape3A {strides = array<i32>} : memref<1x1xf32, #tpu.memory_space<vmem>>, vector<1x1xf32>,
    return
  }
}

</mosaic_0001>

<sc_bundles>
// kernel: kernel.6.cloned.1.call-start
scs
__scs_entry_jumppad:
0x0: {  	(pc) =	sbr.rel $0x88, $3  }
0x1: {  	(tag) =	ssettag $0x0;
	lr =	simm.s32 $0x1  }
0x2: {  	[smem:$0x3F96] =	sst lr;
	_ =	strace $0xD0000000  }
0x3: {  	_ = 	snop  }
0x4: {  	_ = 	snop  }
0x5: {  	_ = 	snop  }
0x6: {  	_ = 	snop  }
0x7: {  	_ = 	snop  }
__scs_overlays_trampoline_lowered:
0x8: {  	[smem:$0x3FA5] =	sst s0  }
0x9: {  	[smem:$0x3FA6] =	sst s1  }
0xa: {  	[smem:$0x3FA7] =	sst s2  }
0xb: {  	[smem:$0x3FA8] =	sst s3  }
0xc: {  	[smem:$0x3FA9] =	sst s4  }
0xd: {  	[smem:$0x3FAA] =	sst s5  }
0xe: {  	[smem:$0x3FAB] =	sst s6  }
0xf: {  	[smem:$0x3FAC] =	sst s7  }
0x10: {  	[smem:$0x3FAD] =	sst s8  }
0x11: {  	[smem:$0x3FAE] =	sst s9;
	s0 =	simm.s32 @!p0 $0x0  }
0x12: {  	s1 =	sld [smem:$0x3F94];
	s0 =	simm.s32 @p0 $0x1  }
0x13: {  	[smem:$0x3FAF] =	sst s0;
	s0 =	simm.s32 @!p1 $0x0  }
0x14: {  	s2 =	sld [smem:$0x3F93];
	s0 =	simm.s32 @p1 $0x1  }
0x15: {  	[smem:$0x3FB0] =	sst s0;
	s0 =	simm.s32 @!p2 $0x0  }
0x16: {  	s3 =	sld [smem:$0x3FDB];
	s0 =	simm.s32 @p2 $0x1  }
0x17: {  	s4 =	simm.s32 $0x1BF5;
	[smem:$0x3FB2] =	sst s0  }
0x18: {  	s0 =	sld [smem:$0x3F95];
	_ =	swait.ge [sflag:s4], $0x0  }
0x19: {  	s7 =	sld [smem:$0x3F96]  }
0x1a: {  	s8 =	sadd.s32 $0xFFFFE003, lr  }
0x1b: {  	s9 =	sadd.s32 $0xFFFFFEF7, lr;
	s5 =	simm.s32 $0xFFFFFFFF;
	p2 =	slt.u32 s8, $0xFFFFF086  }
0x1c: {  	p1 =	slt.u32 s9, $0xF7A;
	s5 =	simm.s32 @!p2 $0x0  }
0x1d: {  	s5 =	simm.s32 @p1 $0x1;
	p0 =	seq.s32 s7, s2  }
0x1e: {  	s7 =	smul.u32 @!p0 $0xF7A, s2;
	p2 =	seq.s32 @!p0 s5, $0x0  }
0x1f: {  	s9 =	smul.u32 $0xF7A, s1;
	s8 =	simm.s32 @!p0 $0x1BF5;
	p2 =	por !p2, p0  }
0x20: {  	[sflag:s8] =	ssyncset.s32 @!p0 $0xFFFFF086;
	s6 =	sadd.s32 @!p0 s3, s7;
	s7 =	simm.s32 @!p0 $0x108  }
0x21: {  	s3 =	sadd.s32 s3, s9;
	s6 =	sadd.s32 @!p0 $0x88, s6;
	s7 =	simm.s32 @p2 $0x1082  }
0x22: {  	[simem:s7], [sflag:s8] =	dma.local @!p0 [hbm:s6], $0xF7A  }
0x23: {  	s9 =	sor.u32 $0xD0000000, s2;
	s6 =	simm.s32 $0x108;
	_ =	swait.ge @!p0 [sflag:s8], $0x0  }
0x24: {  	s3 =	sadd.s32 $0x88, s3;
	s6 =	simm.s32 @!p1 $0x1082;
	[sflag:s4] =	ssyncset.s32 $0xFFFFF086  }
0x25: {  	[simem:s6], [sflag:s4] =	dma.local [hbm:s3], $0xF7A  }
0x26: {  	[smem:$0x3F96] =	sst s1;
	(tag) =	ssettag s2;
	_ =	strace s9  }
0x27: {  	s1 =	sld [smem:$0x3FA6]  }
0x28: {  	s2 =	sld [smem:$0x3FA7]  }
0x29: {  	s4 =	sld [smem:$0x3FA9]  }
0x2a: {  	p0 =	seq.s32 s5, $0x0;
	s5 =	sld [smem:$0x3FAA]  }
0x2b: {  	s6 =	sld [smem:$0x3FAB]  }
0x2c: {  	s7 =	sld [smem:$0x3FAC]  }
0x2d: {  	s3 =	simm.s32 $0x108;
	s8 =	sld [smem:$0x3FAD]  }
0x2e: {  	s3 =	simm.s32 @!p0 $0x1082;
	s9 =	sld [smem:$0x3FAE]  }
0x2f: {  	lr =	sadd.s32 s0, s3;
	s0 =	sld [smem:$0x3FA5]  }
0x30: {  	s3 =	sld [smem:$0x3FA8]  }
0x31: {  	[smem:$0x3FB1] =	sst s10  }
0x32: {  	s10 =	sld [smem:$0x3FAF];
	_ =	sdelay $0x3  }
0x33: {  	p0 =	seq.s32 s10, $0x1;
	s10 =	sld [smem:$0x3FB1];
	_ =	sdelay $0x3  }
0x34: {  	[smem:$0x3FB1] =	sst s10  }
0x35: {  	s10 =	sld [smem:$0x3FB0];
	_ =	sdelay $0x3  }
0x36: {  	p1 =	seq.s32 s10, $0x1;
	s10 =	sld [smem:$0x3FB1];
	_ =	sdelay $0x3  }
0x37: {  	[smem:$0x3FB1] =	sst s10  }
0x38: {  	s10 =	sld [smem:$0x3FB2]  }
0x39: {  	_ = 	snop;
	(pc) =	sbr.ind lr, $3  }
0x3a: {  	_ = 	snop  }
0x3b: {  	_ = 	snop  }
0x3c: {  	p2 =	seq.s32 s10, $0x1;
	s10 =	sld [smem:$0x3FB1]  }
0x3d: {  	_ =	shalt  }
0x3e: {  	_ =	shalt  }
0x3f: {  	_ =	shalt  }
0x40: {  	_ =	shalt  }
0x41: {  	_ =	shalt  }
0x42: {  	_ =	shalt  }
0x43: {  	_ =	shalt  }
0x44: {  	_ =	shalt  }
0x45: {  	_ =	shalt  }
0x46: {  	_ =	shalt  }
0x47: {  	_ =	shalt  }
0x48: {  	_ =	shalt  }
0x49: {  	_ =	shalt  }
0x4a: {  	_ =	shalt  }
0x4b: {  	_ =	shalt  }
0x4c: {  	_ =	shalt  }
0x4d: {  	_ =	shalt  }
0x4e: {  	_ =	shalt  }
0x4f: {  	_ =	shalt  }
0x50: {  	_ =	shalt  }
0x51: {  	_ =	shalt  }
0x52: {  	_ =	shalt  }
0x53: {  	_ =	shalt  }
0x54: {  	_ =	shalt  }
0x55: {  	_ =	shalt  }
0x56: {  	_ =	shalt  }
0x57: {  	_ =	shalt  }
0x58: {  	_ =	shalt  }
0x59: {  	_ =	shalt  }
0x5a: {  	_ =	shalt  }
0x5b: {  	_ =	shalt  }
0x5c: {  	_ =	shalt  }
0x5d: {  	_ =	shalt  }
0x5e: {  	_ =	shalt  }
0x5f: {  	_ =	shalt  }
0x60: {  	_ =	shalt  }
0x61: {  	_ =	shalt  }
0x62: {  	_ =	shalt  }
0x63: {  	_ =	shalt  }
0x64: {  	_ =	shalt  }
0x65: {  	_ =	shalt  }
0x66: {  	_ =	shalt  }
0x67: {  	_ =	shalt  }
0x68: {  	_ =	shalt  }
0x69: {  	_ =	shalt  }
0x6a: {  	_ =	shalt  }
0x6b: {  	_ =	shalt  }
0x6c: {  	_ =	shalt  }
0x6d: {  	_ =	shalt  }
0x6e: {  	_ =	shalt  }
0x6f: {  	_ =	shalt  }
0x70: {  	_ =	shalt  }
0x71: {  	_ =	shalt  }
0x72: {  	_ =	shalt  }
0x73: {  	_ =	shalt  }
0x74: {  	_ =	shalt  }
0x75: {  	_ =	shalt  }
0x76: {  	_ =	shalt  }
0x77: {  	_ =	shalt  }
0x78: {  	_ =	shalt  }
0x79: {  	_ =	shalt  }
0x7a: {  	_ =	shalt  }
0x7b: {  	_ =	shalt  }
0x7c: {  	_ =	shalt  }
0x7d: {  	_ =	shalt  }
0x7e: {  	_ =	shalt  }
0x7f: {  	_ =	shalt  }
0x80: {  	_ =	shalt  }
0x81: {  	_ =	shalt  }
0x82: {  	_ =	shalt  }
0x83: {  	_ =	shalt  }
0x84: {  	_ =	shalt  }
0x85: {  	_ =	shalt  }
0x86: {  	_ =	shalt  }
0x87: {  	_ =	shalt  }
.Lfunc_end0:
.L_simem_size_0:
called_computation_lowered:
.L_overlay_start_0:
0x88: {  	s2 =	sld [smem:$0x3FD9]  }
0x89: {  	s3 =	sld [smem:$0x3FFE];
	_ =	sdelay $0x1  }
0x8a: {  	s1 =	srdreg.scid  }
0x8b: {  	s0 =	sand.u32 $0x1, s1  }
0x8c: {  	s17 =	sshll.u32 s0, $0xA;
	s2 =	sadd.s32 s3, s2  }
0x8d: {  	s2 =	sadd.s32 s2, s17  }
0x8e: {  	[smem:$0x3FBD] =	sst s2  }
0x8f: {  	_ = 	snop  }
0x90: {  	s2 =	sld [smem:$0x3FC8]  }
0x91: {  	s18 =	sld [smem:$0x3FC7];
	(tm) =	ssettm $0x1  }
0x92: {  	s4 =	sld [smem:$0x3FFB];
	_ =	sdelay $0x3  }
0x93: {  	_ =	strace s4  }
0x94: {  	s4 =	sld [smem:$0x3FFC];
	_ =	sdelay $0x3  }
0x95: {  	_ =	strace s4  }
0x96: {  	s4 =	sld [smem:$0x3FFD];
	_ =	sdelay $0x3  }
0x97: {  	_ =	strace s4  }
0x98: {  	_ =	strace $0x8FFFFFFF  }
0x99: {  	s19 =	sld [smem:$0x3FDB];
	_ =	sdelay $0x1  }
0x9a: {  	s5 =	simm.s32 $_scs_section_size  }
0x9b: {  	s6 =	simm.s32 $_size__tile_overlayer_lowered;
	s7 =	simm.s32 $_tile_overlayer_lowered  }
0x9c: {  	s22 =	simm.s32 $0x1BFF;
	s21 =	sshll.u32 s7, $0x1;
	s4 =	sadd.s32 s5, s19  }
0x9d: {  	s8 =	simm.s32 $0x0;
	s20 =	sshll.u32 s6, $0x1;
	s6 =	sadd.s32 s21, s4  }
0x9e: {  	[timem:s8], [sflag:s22] =	dma.local [hbm:s6], s20  }
0x9f: {  	_ =	swait.ge [sflag:s22], s20  }
0xa0: {  	s5 =	ssub.s32 $0x0, s20;
	[sflag:s22] =	ssyncset.done $0x0  }
0xa1: {  	[sflag:s22] =	ssyncadd.s32 s5;
	_ =	sdelay $0x1  }
0xa2: {  	s23 =	simm.s32 $0x1B8B  }
0xa3: {  	_ =	swait.ge [sflag:s23], $0x1  }
0xa4: {  	[sflag:s23] =	ssyncset.done $0x0  }
0xa5: {  	s25 =	simm.s32 $0x1B8E;
	s24 =	sld [smem:$0x3FFE];
	[sflag:s23] =	ssyncadd.s32 $0xFFFFFFFF  }
0xa6: {  	s26 =	simm.s32 $execute0_lowered;
	[smem:$0x3FD2] =	sst s25  }
0xa7: {  	s6 =	sshll.u32 s26, $0x1;
	_ =	strace $0x80000046;
	[dreg:$0x1] =	wrdreg $0xFFFFFFFF  }
0xa8: {  	s28 =	simm.s32 $_size_execute0_lowered;
	s4 =	sadd.s32 s4, s6;
	[dreg:$0x0] =	wrdreg $0x0  }
0xa9: {  	s6 =	sshll.u32 s28, $0x1;
	[dreg:$0x2] =	wrdreg s4  }
0xaa: {  	[dreg:$0x3] =	wrdreg s6  }
0xab: {  	[dreg:$0x4] =	wrdreg $0xC0  }
0xac: {  	_ =	task [dreg:s8], $0x5FFFF  }
0xad: {  	[dreg:$0x1] =	wrdreg $0xFFFFFFFF  }
0xae: {  	[dreg:$0x0] =	wrdreg $0x60  }
0xaf: {  	[dreg:$0x2] =	wrdreg s24  }
0xb0: {  	[dreg:$0x3] =	wrdreg s2  }
0xb1: {  	[dreg:$0x4] =	wrdreg s18  }
0xb2: {  	[dreg:$0x5] =	wrdreg $0x9  }
0xb3: {  	_ =	task.clear_ibuf [dreg:s8], $0x6FFFF;
	_ =	strace $0x90000046  }
0xb4: {  	s29 =	simm.s32 $0x9;
	_ =	strace $0x80000048  }
0xb5: {  	_ =	swait.ge [sflag:s29], $0x1  }
0xb6: {  	[sflag:s29] =	ssyncadd.s32 $0xFFFFFFFF  }
0xb7: {  	_ =	strace $0x90000048  }
0xb8: {  	_ =	sfence  }
0xb9: {  	s30 =	sld [smem:$0x0];
	_ =	sdelay $0x2  }
0xba: {  	s31 =	sshll.u32 s1, $0xD;
	s1 =	sshrl.u32 s1, $0x2  }
0xbb: {  	s3 =	sand.u32 $0x4000, s31;
	s1 =	sadd.s32 s1, s30  }
0xbc: {  	s0 =	sor.u32 s3, s0;
	s1 =	sshll.u32 s1, $0x11  }
0xbd: {  	s0 =	sor.u32 s1, s0  }
0xbe: {  	s0 =	sadd.s32 $0x8F2B, s0  }
0xbf: {  	[sflag:s0] =	ssyncadd.remote.s32 $0x1  }
0xc0: {  	_ =	sfence.sel $0xFFFF  }
0xc1: {  	[dreg:$0x0] =	wrdreg $0xFFFFFFFF;
	(pc) =	sbr.abs _section_cstart, $3  }
0xc2: {  	[dreg:$0x1] =	wrdreg $0xFFFFFFFF  }
0xc3: {  	_ =	task.clear_ibuf [dreg:s8], $0x2FFFF;
	_ =	strace $0x9FFFFFFF  }
0xc4: {  	(tm) =	ssettm $0x7FFFFFFF  }
0xc5: {  	_ =	shalt  }
tec
execute0_lowered:
.L_overlay_start_1:
0x0: {  	(tag) =	ssettag $0x1  }
0x1: {  	s0 =	srdreg.scid;
	s6 =	rddreg [dreg:$0x0]  }
0x2: {  	s7 =	rddreg [dreg:$0x1];
	s5 =	sand.u32 $0x1, s0  }
0x3: {  	s2 =	rddreg [dreg:$0x2];
	s0 =	stileid.u32;
	s1 =	sshll.u32 s5, $0x4  }
0x4: {  	s3 =	simm.s32 $0x0;
	s12 =	simm.s32 $0x7780;
	s8 =	sor.u32 s0, s1  }
0x5: {  	s13 =	simm.s32 $0x7C00;
	s14 =	simm.s32 $0x2;
	s9 =	smul.u32 $0x1388, s8  }
0x6: {  	s15 =	simm.s32 $0x0;
	[smem:$0x7FF] =	sst s3;
	s10 =	sshll.u32 s0, $0x4  }
0x7: {  	s5 =	ssub.s32 $0x2, s5;
	s29 =	smul.u32 $0x1388, s0;
	s4 =	sand.u32 $0x78, s9  }
0x8: {  	v0 =	vlaneseq.u32;
	s1 =	rddreg [dreg:$0x3];
	_ =	strace $0x80000047;
	s11 =	sadd.s32 $0x1378, s4  }
0x9: {  	v4 =	vimm.f32 $0.0e+00;
	s10 =	sand.u32 $0x70, s10;
	s28 =	sshrl.u32 s5, $0x1;
	s8 =	sshll.u32 s8, $0x4;
	v1 =	vadd.s32 s11, v0  }
0xa: {  	v8 =	vimm.f32 $1.000000000e+00;
	vm0 =	vcmask $0x1F00;
	s31 =	sand.u32 $0x78, s29;
	s8 =	sand.u32 $0x180, s8;
	s9 =	sshrl.u32 s9, $0x2;
	v2 =	vshll.u32 v1, $0x1  }
0xb: {  	v8 =	vsel vm0, $0x0, v8;
	s4 =	sadd.s32 $0x1400, s6;
	s6 =	sadd.s32 s10, s6;
	s10 =	ssub.s32 s5, s28;
	v1 =	vand.u32 $0x7F, v1;
	v2 =	vand.u32 $0x2F00, v2  }
0xc: {  	v9 =	vor.u32 $0x10, v0;
	s30 =	sand.u32 $0xFFE0, s9;
	s9 =	simm.s32 $0x2800;
	s6 =	sadd.s32 s8, s6;
	v1 =	vor.u32 v1, v2;
	v2 =	vmul.u32 $0x41, v0  }
0xd: {  	v10 =	vor.u32 $0x20, v0;
	v11 =	vor.u32 $0x30, v0;
	s5 =	sadd.s32 s7, s30;
	s7 =	smax.u32 s10, $0x1;
	s8 =	sadd.s32 $0x10, s31;
	v3 =	vor.u32 $0x80, v1  }
0xe: {  	s10 =	simm.s32 $0x4F80;
	s11 =	simm.s32 $0x1;
	s6 =	sadd.s32 $0x1A00, s6;
	v5 =	vadd.s32 $0x1, v2;
	v6 =	vadd.s32 $0x2, v2;
	v7 =	vadd.s32 $0x3, v2  }
.LBB2_1:
0xf: {  	[tilespmem:s3], [sflag:$0x1] =	stream.linear.gather [hbm4b:s4+s3], $0x2800, $0x38;
	[tilespmem:$0x7C80] =	vst v63  }
0x10: {  	_ = 	snop  }
0x11: {  	[tilespmem:s9], [sflag:$0x1] =	stream.linear.gather [hbm4b:s2+s3], $0x2780, $0x38;
	[tilespmem:$0x7C80] =	vst v63  }
0x12: {  	s16 =	simm.s32 $0x40;
	s17 =	simm.s32 $0x0  }
0x13: {  	[tilespmem:s10], [sflag:$0x1] =	stream.linear.gather [hbm4b:s5+s3], $0x2800, $0x38;
	[tilespmem:$0x7C80] =	vst v63  }
.LBB2_2:
0x14: {  	p0 =	sne.s32 s16, $0x1040;
	[tilespmem:s17+$0x7780] =	vst v4;
	s17 =	smov.u32 s16;
	s16 =	sadd.s32 $0x40, s16  }
.Ltmp0:
0x15: {  	(pc) =	sbr.rel @p0 .LBB2_2-.Ltmp0, $2  }
0x16: {  	_ =	sdelay $0x2  }
0x17: {  	s17 =	sshra.s32 s17, $0x2  }
0x18: {  	[tilespmem:s17+$0x7780] =	vst v4;
	s16 =	sadd.s32 $0xFFFFFFF0, s8  }
0x19: {  	_ =	swait.ge [sflag:s11], $0x2800;
	v12 =	vadd.s32 s16, v0  }
0x1a: {  	[sflag:s11] =	ssyncset.done $0x0;
	v13 =	vshll.u32 v12, $0x1  }
0x1b: {  	v12 =	vand.u32 $0x7F, v12;
	[sflag:s11] =	ssyncadd.s32 $0xFFFFD800;
	v13 =	vand.u32 $0x7FFFFF00, v13  }
0x1c: {  	_ =	swait.ge [sflag:s11], $0x2780;
	v12 =	vor.u32 v12, v13  }
0x1d: {  	[sflag:s11] =	ssyncset.done $0x0;
	v13 =	vor.u32 $0x80, v12  }
0x1e: {  	v14 =	vadd.s32 s8, v0;
	[sflag:s11] =	ssyncadd.s32 $0xFFFFD880  }
0x1f: {  	v15 =	vshll.u32 v14, $0x1;
	_ =	swait.ge [sflag:s11], $0x2800  }
0x20: {  	v14 =	vand.u32 $0x7F, v14;
	v15 =	vand.u32 $0x7FFFFF00, v15;
	[sflag:s11] =	ssyncset.done $0x0  }
0x21: {  	v14 =	vor.u32 v14, v15;
	[sflag:s11] =	ssyncadd.s32 $0xFFFFD800  }
0x22: {  	s30 =	sadd.s32 $0x20, s8;
	v15 =	vor.u32 $0x80, v14;
	v13 =	vld.idx.msk [tilespmem:v13+s10+$0x0], $0xffff  }
0x23: {  	v16 =	vadd.s32 s30, v0  }
0x24: {  	v19 =	vshll.u32 v16, $0x1;
	v12 =	vld.idx.msk [tilespmem:v12+s10+$0x0], $0xffff  }
0x25: {  	v16 =	vand.u32 $0x7F, v16;
	v19 =	vand.u32 $0x7FFFFF00, v19  }
0x26: {  	v16 =	vor.u32 v16, v19;
	v14 =	vld.idx.msk [tilespmem:v14+s10+$0x0], $0xffff  }
0x27: {  	s31 =	sadd.s32 $0xFFFFFFF0, s30;
	v15 =	vld.idx.msk [tilespmem:v15+s10+$0x0], $0xffff  }
0x28: {  	v18 =	vadd.s32 s31, v0  }
0x29: {  	v20 =	vshll.u32 v18, $0x1  }
0x2a: {  	v18 =	vand.u32 $0x7F, v18;
	v20 =	vand.u32 $0x7FFFFF00, v20;
	v17 =	vld.idx.msk [tilespmem:v13+s9+$0x0], $0xffff  }
0x2b: {  	v20 =	vor.u32 v18, v20;
	v18 =	vor.u32 $0x80, v16;
	v16 =	vld.idx.msk [tilespmem:v16+s10+$0x0], $0xffff  }
0x2c: {  	v21 =	vor.u32 $0x80, v20;
	v12 =	vld.idx.msk [tilespmem:v12+s3+$0x0], $0xffff  }
0x2d: {  	v13 =	vld.idx.msk [tilespmem:v13+s3+$0x0], $0xffff  }
0x2e: {  	v14 =	vld.idx.msk [tilespmem:v14+s3+$0x0], $0xffff  }
0x2f: {  	v22 =	vld.idx.msk [tilespmem:v15+s3+$0x0], $0xffff;
	v17 =	vshll.u32 v17, $0x2  }
0x30: {  	v19 =	vld.idx.msk [tilespmem:v18+s10+$0x0], $0xffff;
	v23 =	vadd.s32 v2, v17  }
0x31: {  	v18 =	vld.idx.msk [tilespmem:v21+s10+$0x0], $0xffff;
	v25 =	vadd.s32 v5, v17  }
0x32: {  	v15 =	vld.idx.msk [tilespmem:v15+s9+$0x0], $0xffff;
	v26 =	vmul.f32 v13, v12;
	v28 =	vsub.f32 $1.000000000e+00, v12;
	v27 =	vadd.s32 v6, v17  }
0x33: {  	v24 =	vld.idx.msk [tilespmem:v20+s10+$0x0], $0xffff;
	v17 =	vadd.s32 v7, v17  }
0x34: {  	v16 =	vld.idx.msk [tilespmem:v16+s3+$0x0], $0xffff;
	v20 =	vsub.f32 v12, v26;
	v21 =	vsub.f32 v28, v13;
	v12 =	vmul.f32 v22, v14  }
0x35: {  	v63 =	vsub.f32 $1.000000000e+00, v14;
	v13 =	vsub.f32 v13, v26;
	[tilespmem:v23+s12+$0x0] =	vst.idx.add.f32.msk $0xffff, v26  }
0x36: {  	v14 =	vsub.f32 v14, v12;
	[tilespmem:v25+s12+$0x0] =	vst.idx.add.f32.msk $0xffff, v20;
	v20 =	vadd.f32 v26, v21  }
0x37: {  	v21 =	vsub.f32 v63, v22;
	v25 =	vshll.u32 v15, $0x2;
	v15 =	vsub.f32 v22, v12;
	[tilespmem:v27+s12+$0x0] =	vst.idx.add.f32.msk $0xffff, v13  }
0x38: {  	v23 =	vadd.s32 v2, v25;
	v22 =	vadd.s32 v6, v25;
	[tilespmem:v17+s12+$0x0] =	vst.idx.add.f32.msk $0xffff, v20  }
0x39: {  	s16 =	simm.s32 $0x2;
	s17 =	sadd.s32 $0x20, s30;
	v13 =	vadd.f32 v12, v21;
	v21 =	vadd.s32 v5, v25;
	v20 =	vadd.s32 v7, v25;
	v17 =	vld.idx.msk [tilespmem:v19+s3+$0x0], $0xffff  }
.LBB2_4:
0x3a: {  	s18 =	sadd.s32 $0xFFFFFFF0, s17;
	v25 =	vadd.s32 s17, v0;
	v26 =	vld.idx.msk [tilespmem:v18+s9+$0x0], $0xffff  }
0x3b: {  	v27 =	vadd.s32 s18, v0;
	v28 =	vand.u32 $0x7F, v25;
	v25 =	vshll.u32 v25, $0x1;
	v19 =	vld.idx.msk [tilespmem:v19+s9+$0x0], $0xffff  }
0x3c: {  	v29 =	vshll.u32 v27, $0x1;
	v25 =	vand.u32 $0x7FFFFF00, v25;
	v30 =	vld.idx.msk [tilespmem:v24+s3+$0x0], $0xffff  }
0x3d: {  	s16 =	sadd.s32 $0x2, s16;
	v24 =	vand.u32 $0x7F, v27;
	v27 =	vand.u32 $0x7FFFFF00, v29;
	v25 =	vor.u32 v28, v25;
	v28 =	vld.idx.msk [tilespmem:v18+s3+$0x0], $0xffff  }
0x3e: {  	p0 =	slt.u32 s16, $0x136;
	v24 =	vor.u32 v24, v27;
	v18 =	vor.u32 $0x80, v25;
	v27 =	vsub.f32 $1.000000000e+00, v16;
	[tilespmem:v23+s12+$0x0] =	vst.idx.add.f32.msk $0xffff, v12  }
0x3f: {  	v12 =	vmul.f32 v17, v16;
	v23 =	vor.u32 $0x80, v24;
	[tilespmem:v21+s12+$0x0] =	vst.idx.add.f32.msk $0xffff, v14  }
0x40: {  	v21 =	vshll.u32 v26, $0x2;
	v26 =	vsub.f32 v27, v17;
	[tilespmem:v22+s12+$0x0] =	vst.idx.add.f32.msk $0xffff, v15  }
0x41: {  	v27 =	vadd.s32 v2, v21;
	v29 =	vshll.u32 v19, $0x2;
	v14 =	vsub.f32 v16, v12;
	[tilespmem:v20+s12+$0x0] =	vst.idx.add.f32.msk $0xffff, v13  }
0x42: {  	v15 =	vsub.f32 v17, v12;
	v16 =	vld.idx.msk [tilespmem:v25+s10+$0x0], $0xffff;
	v25 =	vadd.s32 v5, v21;
	v13 =	vadd.f32 v12, v26  }
0x43: {  	v20 =	vsub.f32 $1.000000000e+00, v30;
	v17 =	vmul.f32 v28, v30;
	v26 =	vadd.s32 v6, v21;
	v19 =	vld.idx.msk [tilespmem:v18+s10+$0x0], $0xffff  }
0x44: {  	v31 =	vadd.s32 v7, v21;
	v21 =	vadd.s32 v5, v29;
	v18 =	vld.idx.msk [tilespmem:v23+s10+$0x0], $0xffff;
	v23 =	vadd.s32 v2, v29  }
0x45: {  	v22 =	vadd.s32 v6, v29;
	v32 =	vsub.f32 v20, v28;
	v30 =	vsub.f32 v30, v17;
	v24 =	vld.idx.msk [tilespmem:v24+s10+$0x0], $0xffff  }
0x46: {  	v20 =	vadd.s32 v7, v29;
	[tilespmem:v27+s12+$0x0] =	vst.idx.add.f32.msk $0xffff, v17;
	v27 =	vsub.f32 v28, v17  }
.Ltmp1:
0x47: {  	v17 =	vadd.f32 v17, v32;
	[tilespmem:v25+s12+$0x0] =	vst.idx.add.f32.msk $0xffff, v30;
	(pc) =	sbr.rel @p0 .LBB2_4-.Ltmp1, $4  }
0x48: {  	[tilespmem:v26+s12+$0x0] =	vst.idx.add.f32.msk $0xffff, v27  }
0x49: {  	[tilespmem:v31+s12+$0x0] =	vst.idx.add.f32.msk $0xffff, v17  }
0x4a: {  	v16 =	vld.idx.msk [tilespmem:v16+s3+$0x0], $0xffff  }
0x4b: {  	s17 =	sadd.s32 $0x20, s17;
	v17 =	vld.idx.msk [tilespmem:v19+s3+$0x0], $0xffff  }
0x4c: {  	_ =	sdelay $0x3  }
0x4d: {  	v25 =	vld.idx.msk [tilespmem:v18+s9+$0x0], $0xffff  }
0x4e: {  	v19 =	vld.idx.msk [tilespmem:v19+s9+$0x0], $0xffff;
	_ =	sdelay $0x1  }
0x4f: {  	v24 =	vld.idx.msk [tilespmem:v24+s3+$0x0], $0xffff  }
0x50: {  	v51 =	vld.idx.msk [tilespmem:v18+s3+$0x0], $0xffff  }
0x51: {  	v25 =	vshll.u32 v25, $0x2  }
0x52: {  	[tilespmem:v23+s12+$0x0] =	vst.idx.add.f32.msk $0xffff, v12;
	v19 =	vshll.u32 v19, $0x2;
	v12 =	vadd.s32 v2, v25  }
0x53: {  	[tilespmem:v21+s12+$0x0] =	vst.idx.add.f32.msk $0xffff, v14;
	v55 =	vadd.s32 v2, v19  }
0x54: {  	[tilespmem:v22+s12+$0x0] =	vst.idx.add.f32.msk $0xffff, v15;
	v14 =	vadd.s32 v5, v25  }
0x55: {  	[tilespmem:v20+s12+$0x0] =	vst.idx.add.f32.msk $0xffff, v13;
	v15 =	vmul.f32 v51, v24;
	v53 =	vsub.f32 $1.000000000e+00, v24;
	v52 =	vadd.s32 v6, v25  }
0x56: {  	v54 =	vmul.f32 v17, v16;
	v13 =	vadd.s32 v7, v25;
	v56 =	vadd.s32 v5, v19  }
0x57: {  	v24 =	vsub.f32 v24, v15;
	v22 =	vsub.f32 v53, v51;
	[tilespmem:v12+s12+$0x0] =	vst.idx.add.f32.msk $0xffff, v15  }
0x58: {  	v57 =	vsub.f32 $1.000000000e+00, v16;
	v26 =	vadd.s32 v6, v19;
	v12 =	vsub.f32 v51, v15;
	[tilespmem:v55+s12+$0x0] =	vst.idx.add.f32.msk $0xffff, v54  }
0x59: {  	[tilespmem:v14+s12+$0x0] =	vst.idx.add.f32.msk $0xffff, v24;
	v14 =	vadd.f32 v15, v22;
	v15 =	vadd.s32 v7, v19  }
0x5a: {  	v58 =	vsub.f32 v16, v54;
	[tilespmem:v52+s12+$0x0] =	vst.idx.add.f32.msk $0xffff, v12;
	v12 =	vsub.f32 v57, v17  }
0x5b: {  	[tilespmem:v13+s12+$0x0] =	vst.idx.add.f32.msk $0xffff, v14;
	v13 =	vsub.f32 v17, v54  }
0x5c: {  	[tilespmem:v56+s12+$0x0] =	vst.idx.add.f32.msk $0xffff, v58;
	v12 =	vadd.f32 v54, v12  }
0x5d: {  	[tilespmem:v26+s12+$0x0] =	vst.idx.add.f32.msk $0xffff, v13  }
0x5e: {  	[tilespmem:v15+s12+$0x0] =	vst.idx.add.f32.msk $0xffff, v12  }
0x5f: {  	v12 =	vld.idx.msk [tilespmem:v1+s10+$0x0], $0xffff  }
0x60: {  	v13 =	vld.idx.msk [tilespmem:v3+s10+$0x0], $0xffff;
	_ =	sdelay $0x6  }
0x61: {  	v12 =	vld.idx.msk [tilespmem:v12+s3+$0x0], $0xffff  }
0x62: {  	v14 =	vld.idx.msk [tilespmem:v13+s9+$0x0], $0xffff  }
0x63: {  	v13 =	vld.idx.msk [tilespmem:v13+s3+$0x0], $0xffff;
	_ =	sdelay $0x3  }
0x64: {  	v14 =	vshll.u32 v14, $0x2  }
0x65: {  	v15 =	vmul.f32 v8, v12;
	v13 =	vmul.f32 v8, v13;
	v59 =	vadd.s32 v2, v14  }
0x66: {  	v60 =	vadd.s32 v5, v14  }
0x67: {  	v61 =	vadd.s32 v6, v14;
	v12 =	vmul.f32 v13, v12;
	v62 =	vsub.f32 v8, v15  }
0x68: {  	v14 =	vadd.s32 v7, v14  }
0x69: {  	s16 =	simm.s32 $0x41;
	v15 =	vsub.f32 v15, v12;
	v19 =	vsub.f32 v62, v13  }
0x6a: {  	v63 =	vadd.s32 s16, v0;
	v13 =	vsub.f32 v13, v12;
	[tilespmem:v59+s12+$0x0] =	vst.idx.add.f32.msk $0xffff, v12  }
0x6b: {  	v12 =	vadd.f32 v12, v19;
	[tilespmem:v60+s12+$0x0] =	vst.idx.add.f32.msk $0xffff, v15  }
0x6c: {  	[tilespmem:v61+s12+$0x0] =	vst.idx.add.f32.msk $0xffff, v13  }
0x6d: {  	[tilespmem:v14+s12+$0x0] =	vst.idx.add.f32.msk $0xffff, v12  }
0x6e: {  	v12 =	vld.idx.msk [tilespmem:v0+s12+$0x0], $0xffff  }
0x6f: {  	s16 =	simm.s32 $0x82;
	v13 =	vld.idx.msk [tilespmem:v63+s12+$0x0], $0xffff  }
.LBB2_6:
0x70: {  	v14 =	vadd.s32 s16, v0;
	p0 =	sne.s32 s16, $0x3CF;
	s16 =	sadd.s32 $0x41, s16  }
.Ltmp2:
0x71: {  	(pc) =	sbr.rel @p0 .LBB2_6-.Ltmp2, $2  }
0x72: {  	_ =	sdelay $0x2  }
0x73: {  	v12 =	vadd.f32 v13, v12;
	v13 =	vld.idx.msk [tilespmem:v14+s12+$0x0], $0xffff  }
0x74: {  	_ =	sdelay $0x1  }
0x75: {  	s16 =	simm.s32 $0x51  }
0x76: {  	v14 =	vadd.s32 s16, v0  }
0x77: {  	v12 =	vadd.f32 v13, v12;
	_ =	sdelay $0x1  }
0x78: {  	[tilespmem:$0x7C00] =	vst v12  }
0x79: {  	v12 =	vld.idx.msk [tilespmem:v9+s12+$0x0], $0xffff  }
0x7a: {  	s16 =	simm.s32 $0x92;
	v13 =	vld.idx.msk [tilespmem:v14+s12+$0x0], $0xffff  }
.LBB2_8:
0x7b: {  	v14 =	vadd.s32 s16, v0;
	p0 =	sne.s32 s16, $0x3DF;
	s16 =	sadd.s32 $0x41, s16  }
.Ltmp3:
0x7c: {  	(pc) =	sbr.rel @p0 .LBB2_8-.Ltmp3, $2  }
0x7d: {  	_ =	sdelay $0x2  }
0x7e: {  	v12 =	vadd.f32 v13, v12;
	v13 =	vld.idx.msk [tilespmem:v14+s12+$0x0], $0xffff  }
0x7f: {  	_ =	sdelay $0x1  }
0x80: {  	s16 =	simm.s32 $0x61  }
0x81: {  	v14 =	vadd.s32 s16, v0  }
0x82: {  	v12 =	vadd.f32 v13, v12;
	_ =	sdelay $0x1  }
0x83: {  	[tilespmem:$0x7C10] =	vst v12  }
0x84: {  	v12 =	vld.idx.msk [tilespmem:v10+s12+$0x0], $0xffff  }
0x85: {  	s16 =	simm.s32 $0xA2;
	v13 =	vld.idx.msk [tilespmem:v14+s12+$0x0], $0xffff  }
.LBB2_10:
0x86: {  	v14 =	vadd.s32 s16, v0;
	p0 =	sne.s32 s16, $0x3EF;
	s16 =	sadd.s32 $0x41, s16  }
.Ltmp4:
0x87: {  	(pc) =	sbr.rel @p0 .LBB2_10-.Ltmp4, $2  }
0x88: {  	_ =	sdelay $0x2  }
0x89: {  	v12 =	vadd.f32 v13, v12;
	v13 =	vld.idx.msk [tilespmem:v14+s12+$0x0], $0xffff  }
0x8a: {  	_ =	sdelay $0x1  }
0x8b: {  	s16 =	simm.s32 $0x71  }
0x8c: {  	v14 =	vadd.s32 s16, v0  }
0x8d: {  	v12 =	vadd.f32 v13, v12;
	_ =	sdelay $0x1  }
0x8e: {  	[tilespmem:$0x7C20] =	vst v12  }
0x8f: {  	v12 =	vld.idx.msk [tilespmem:v11+s12+$0x0], $0xffff  }
0x90: {  	s16 =	simm.s32 $0xB2;
	v13 =	vld.idx.msk [tilespmem:v14+s12+$0x0], $0xffff  }
.LBB2_12:
0x91: {  	v14 =	vadd.s32 s16, v0;
	p0 =	sne.s32 s16, $0x3FF;
	s16 =	sadd.s32 $0x41, s16  }
.Ltmp5:
0x92: {  	(pc) =	sbr.rel @p0 .LBB2_12-.Ltmp5, $2  }
0x93: {  	_ =	sdelay $0x2  }
0x94: {  	v12 =	vadd.f32 v13, v12;
	v13 =	vld.idx.msk [tilespmem:v14+s12+$0x0], $0xffff  }
0x95: {  	_ =	sdelay $0x3  }
0x96: {  	s15 =	sadd.s32 $0x1, s15;
	v12 =	vadd.f32 v13, v12  }
0x97: {  	p0 =	sne.s32 s15, s7  }
.Ltmp6:
0x98: {  	[tilespmem:$0x7C30] =	vst v12;
	(pc) =	sbr.rel @p0 .LBB2_1-.Ltmp6, $4  }
0x99: {  	[hbm4b:s6+s3] =	stream.linear.scatter [tilespmem:s13], [sflag:$0x2], $0x80, $0x38;
	[tilespmem:$0x7C80] =	vst v63  }
0x9a: {  	_ =	swait.ge [sflag:s14], $0x80  }
0x9b: {  	[sflag:s14] =	ssyncset.done $0x0  }
0x9c: {  	[sflag:s14] =	ssyncadd.s32 $0xFFFFFF80  }
0x9d: {  	_ =	sfence.sel $0x180000  }
0x9e: {  	[bflag:$0x0] =	sbarrier.arrive $0xFFFF  }
0x9f: {  	p0 =	sne.s32 s0, $0x0;
	_ =	strace $0x90000047  }
0xa0: {  	s0 =	sadd.s32 @!p0 $0x100000, s1;
	[bflag:$0x2] =	sbarrier.arrive $0xFFFF  }
0xa1: {  	[sflag:s0] =	ssyncadd.tile.s32 @!p0 $0x1;
	_ =	shalt  }
.Lfunc_end2:
_tile_overlayer_lowered:
.L_overlay_start_2:
0xa2: {  	(tag) =	ssettag $0x2  }
0xa3: {  	s0 =	rddreg [dreg:$0x0];
	s2 =	stileid.u32  }
0xa4: {  	s1 =	rddreg [dreg:$0x1];
	p0 =	sne.s32 s2, $0x0  }
0xa5: {  	s3 =	rddreg [dreg:$0x2];
	[bflag:$0x3] =	sbarrier.arrive $0xFFFF;
	s2 =	simm.s32 @!p0 $0x1C02  }
0xa6: {  	[timem:s3], [sflag:s2] =	dma.local @!p0 [hbm:s0], s1  }
0xa7: {  	s0 =	simm.s32 @!p0 $0x2  }
0xa8: {  	_ =	swait.ge @!p0 [sflag:s0], s1  }
0xa9: {  	s1 =	ssub.s32 @!p0 $0x0, s1;
	[sflag:s0] =	ssyncset.done @!p0 $0x0  }
0xaa: {  	[sflag:s0] =	ssyncadd.s32 @!p0 s1  }
0xab: {  	[bflag:$0x3] =	sbarrier.arrive $0xFFFF  }
0xac: {  	_ =	shalt  }

</sc_bundles>
